<compile_context>
chip_gen: v7x
topology: tpu7x:2x2x1
jax: 0.10.2.dev20260603
libtpu: 0.0.44.dev20260713+nightly
codegen_flags: <defaults>
</compile_context>

<pallas_src>
import functools

import jax
import jax.numpy as jnp
from jax import lax
from jax.experimental import pallas as pl
from jax.experimental.pallas import tpu as pltpu
from jax.experimental.pallas import tpu_sc as plsc

L = 4096
D = 64
NUM_BLOCKS = 16
BLOCK_DIM = 4
V = 512
NTILES = 32
RPT = L // NTILES
TW = D + 16


def _norm_body(x_ref, tbn_ref, q_ref):
    x = x_ref[...]
    x2 = x * x
    lane = lax.broadcasted_iota(jnp.int32, (D, NUM_BLOCKS), 0)
    blk = lax.broadcasted_iota(jnp.int32, (D, NUM_BLOCKS), 1)
    g = (lane // BLOCK_DIM == blk).astype(jnp.float32)
    ss = lax.dot_general(x2, g, (((1,), (0,)), ((), ())),
                         precision=lax.Precision.HIGHEST)
    nrm = jnp.maximum(jnp.sqrt(ss), 1e-12)
    nexp = lax.dot_general(nrm, g.T, (((1,), (0,)), ((), ())),
                           precision=lax.Precision.HIGHEST)
    tbn = x / nexp
    tbn_ref[...] = tbn
    q_ref[...] = jnp.sum(tbn * tbn).reshape(1, 1)


def _finish_body(p_ref, q_ref, out_ref):
    p = jnp.sum(p_ref[...], axis=0)
    s = p[:, :D]
    c = p[:, D:]
    rowsq = jnp.sum(s * s, axis=1, keepdims=True)
    diff = jnp.sum(rowsq - NUM_BLOCKS * c[:, :1])
    pairs = jnp.sum(c * c - c) / (2.0 * 16.0)
    q = jnp.sum(q_ref[...])
    total = (diff + (NUM_BLOCKS * L - q)) / (2.0 * NUM_BLOCKS)
    out_ref[...] = jnp.where(pairs > 0.5, total / pairs, 0.0).reshape(1, 1)


BR = 256


def _einsum_body(tbn_blk_ref, tbn_all_ref, tokr_ref, tokc_ref, out_ref,
                 acc_ref, cnt_ref):
    i = pl.program_id(0)

    @pl.when(i == 0)
    def _init():
        acc_ref[0, 0] = 0.0
        cnt_ref[0, 0] = 0.0

    rows = tbn_blk_ref[...]
    allm = tbn_all_ref[...]
    sims = lax.dot_general(rows, allm, (((1,), (1,)), ((), ())),
                           preferred_element_type=jnp.float32) / 16.0
    tr = tokr_ref[...]
    tc = tokc_ref[...][0]
    same = tr == tc
    gr = i * BR + lax.broadcasted_iota(jnp.int32, (BR, L), 0)
    gc = lax.broadcasted_iota(jnp.int32, (BR, L), 1)
    mask = same & (gc > gr)
    acc_ref[0, 0] += jnp.sum(jnp.where(mask, sims, 0.0))
    cnt_ref[0, 0] += jnp.sum(mask.astype(jnp.float32))

    @pl.when(i == pl.num_programs(0) - 1)
    def _fin():
        tot = acc_ref[0, 0]
        npairs = cnt_ref[0, 0]
        out_ref[...] = jnp.where(npairs == 0.0, 0.0,
                                 tot / npairs).reshape(1, 1)


def _einsum_loss(tbn, tok):
    return pl.pallas_call(
        _einsum_body,
        grid=(L // BR,),
        in_specs=[
            pl.BlockSpec((BR, D), lambda i: (i, 0)),
            pl.BlockSpec((L, D), lambda i: (0, 0)),
            pl.BlockSpec((BR, 1), lambda i: (i, 0)),
            pl.BlockSpec((1, 1, L), lambda i: (0, 0, 0)),
        ],
        out_specs=pl.BlockSpec((1, 1), lambda i: (0, 0)),
        out_shape=jax.ShapeDtypeStruct((1, 1), jnp.float32),
        scratch_shapes=[
            pltpu.SMEM((1, 1), jnp.float32),
            pltpu.SMEM((1, 1), jnp.float32),
        ],
    )(tbn, tbn, tok.reshape(L, 1), tok.reshape(1, 1, L)).reshape(())


def _sc_scatter_body(tbn_hbm, tok_hbm, out_tab, rows_v, idx_v, table_v,
                     sem0, sem1):
    cid = lax.axis_index("c")
    sid = lax.axis_index("s")
    wid = cid * 16 + sid
    base = wid * RPT
    cp0 = pltpu.async_copy(tok_hbm.at[pl.ds(base, RPT)], idx_v, sem0)
    cp1 = pltpu.async_copy(tbn_hbm.at[pl.ds(base, RPT)], rows_v, sem1)

    z = jnp.zeros((16,), jnp.float32)

    def zbody(i, _):
        for k in range(TW // 16):
            table_v[i, pl.ds(k * 16, 16)] = z
        return 0

    lax.fori_loop(0, V, zbody, 0)
    cp0.wait()
    cp1.wait()

    ones = jnp.ones((16,), jnp.float32)

    def body(grp, _):
        tv = idx_v[pl.ds(grp * 16, 16)]
        for j in range(16):
            t = tv[j]
            r = grp * 16 + j
            for k in range(D // 16):
                v = rows_v[r, pl.ds(k * 16, 16)]
                plsc.addupdate(table_v.at[t, pl.ds(k * 16, 16)], v)
            plsc.addupdate(table_v.at[t, pl.ds(D, 16)], ones)
        return 0

    lax.fori_loop(0, RPT // 16, body, 0)
    pltpu.sync_copy(table_v, out_tab.at[wid])


_sc_scatter = functools.partial(
    pl.kernel,
    out_type=jax.ShapeDtypeStruct((NTILES, V, TW), jnp.float32),
    mesh=plsc.VectorSubcoreMesh(core_axis_name="c", subcore_axis_name="s"),
    scratch_types=[
        pltpu.VMEM((RPT, D), jnp.float32),
        pltpu.VMEM((RPT,), jnp.int32),
        pltpu.VMEM((V, TW), jnp.float32),
        pltpu.SemaphoreType.DMA,
        pltpu.SemaphoreType.DMA,
    ],
)(_sc_scatter_body)


def kernel(semantic_state, token_ids):
    x = semantic_state.reshape(L, D)
    tok = token_ids.reshape(L)

    tbn, q = pl.pallas_call(
        _norm_body,
        out_shape=[
            jax.ShapeDtypeStruct((L, D), jnp.float32),
            jax.ShapeDtypeStruct((1, 1), jnp.float32),
        ],
    )(x)

    tables = _sc_scatter(tbn, tok)

    loss_fast = pl.pallas_call(
        _finish_body,
        out_shape=jax.ShapeDtypeStruct((1, 1), jnp.float32),
    )(tables, q).reshape(())

    return lax.cond(jnp.abs(loss_fast) < 4e-4,
                    lambda: _einsum_loss(tbn, tok),
                    lambda: loss_fast)

# --- scband reference (transcript-rebuilt; emitter-appended) ---
"""Pipeline reference for scband-block-contrastive-loss-21835613733421 (READ-ONLY COPY).

The authoritative reference and input builder live on the scoring server;
editing this copy changes nothing except your own understanding.
"""

import jax, jax.numpy as jnp
import numpy as np

NUM_BLOCKS = 16
BLOCK_DIM = 4


def setup_inputs(seed: int = 0) -> dict:
    key = jax.random.key(seed)
    k1, k2 = jax.random.split(key)
    semantic_state = jax.random.normal(k1, (4, 1024, 64), dtype=jnp.float32)
    token_ids = jax.random.randint(k2, (4, 1024), 0, 512, dtype=jnp.int32)
    return {"semantic_state": semantic_state, "token_ids": token_ids}


def reference(semantic_state, token_ids):
    B, T, D = semantic_state.shape
    L = B * T
    semantic_flat = semantic_state.reshape(L, NUM_BLOCKS, BLOCK_DIM)
    tokens = token_ids.reshape(-1)
    # F.normalize(p=2, dim=2): x / max(||x||, 1e-12)
    norm = jnp.maximum(jnp.linalg.norm(semantic_flat, axis=2, keepdims=True), 1e-12)
    tbn = semantic_flat / norm
    # pairwise block sims: sims[i,j] = mean_k <tbn[i,k], tbn[j,k]>
    sims = jnp.einsum("nkd,mkd->nm", tbn, tbn) / NUM_BLOCKS
    same_token = tokens[:, None] == tokens[None, :]
    upper = jnp.triu(jnp.ones((L, L), dtype=bool), k=1)
    mask = same_token & upper
    total = jnp.sum(jnp.where(mask, sims, jnp.asarray(0.0, dtype=jnp.float32)))
    num_pairs = jnp.sum(mask)
    loss = jnp.where(
        num_pairs == 0,
        jnp.asarray(0.0, dtype=jnp.float32),
        total / num_pairs,
    )
    return loss.astype(jnp.float32)

if __name__ == "__main__":
    import jax
    _d = setup_inputs()
    print(jax.jit(kernel)(*tuple(_d.values())))

</pallas_src>

<mosaic_0001>
#map = affine_map<(d0, d1) -> (0, 0)>
#map1 = affine_map<(d0, d1) -> (0)>
#map2 = affine_map<(d0, d1) -> (0, 0, 0)>
module attributes {stable_mosaic.version = 14 : i64} {
  func.func @_sc_scatter_body(%arg0: i32, %arg1: i32, %arg2: memref<4096x64xf32, #tpu.memory_space<hbm>>, %arg3: memref<4096xi32, #tpu.memory_space<hbm>>, %arg4: memref<32x512x80xf32, #tpu.memory_space<hbm>>, %arg5: memref<128x64xf32, #tpu.memory_space<vmem>>, %arg6: memref<128xi32, #tpu.memory_space<vmem>>, %arg7: memref<512x80xf32, #tpu.memory_space<vmem>>, %arg8: memref<!tpu.dma_semaphore, #tpu.memory_space<semaphore_mem>>, %arg9: memref<!tpu.dma_semaphore, #tpu.memory_space<semaphore_mem>>) attributes {dimension_semantics = [#tpu.dimension_semantics<core_parallel>, #tpu.dimension_semantics<subcore_parallel>], iteration_bounds = array<i64: 2, 16>, scalar_prefetch = 0 : i64, scratch_operands = 5 : i64, tpu.core_type = #tpu.core_type<sc_vector_subcore>, window_params = [{transform_indices = #map}, {transform_indices = #map1}, {transform_indices = #map2}]} {
    %mul3A = arith.constant 16 : i32
    %mul3A_0 = arith.muli %arg0, %mul3A : i32
    %add3A = arith.addi %mul3A_0, %arg1 : i32
    %mul3A_1 = arith.constant 128 : i32
    %mul3A_2 = arith.muli %add3A, %mul3A_1 : i32
    %dma_start3A = tpu.memref_slice %arg3[%mul3A_2] : memref<4096xi32, #tpu.memory_space<hbm>> -> memref<128xi32, #tpu.memory_space<hbm>>
    %dma_start3A_3 = tpu.memref_slice %arg3[%mul3A_2] : memref<4096xi32, #tpu.memory_space<hbm>> -> memref<128xi32, #tpu.memory_space<hbm>>
    tpu.enqueue_dma source(%dma_start3A_3 : memref<128xi32, #tpu.memory_space<hbm>>) target(%arg6 : memref<128xi32, #tpu.memory_space<vmem>>) target_semaphore(%arg8 : memref<!tpu.dma_semaphore, #tpu.memory_space<semaphore_mem>>)
    %dma_start3A_4 = arith.constant 0 : i32
    %dma_start3A_5 = tpu.memref_slice %arg2[%mul3A_2, %dma_start3A_4] : memref<4096x64xf32, #tpu.memory_space<hbm>> -> memref<128x64xf32, #tpu.memory_space<hbm>>
    %dma_start3A_6 = arith.constant 0 : i32
    %dma_start3A_7 = tpu.memref_slice %arg2[%mul3A_2, %dma_start3A_6] : memref<4096x64xf32, #tpu.memory_space<hbm>> -> memref<128x64xf32, #tpu.memory_space<hbm>>
    tpu.enqueue_dma source(%dma_start3A_7 : memref<128x64xf32, #tpu.memory_space<hbm>>) target(%arg5 : memref<128x64xf32, #tpu.memory_space<vmem>>) target_semaphore(%arg9 : memref<!tpu.dma_semaphore, #tpu.memory_space<semaphore_mem>>)
    %broadcast_in_dim3A = arith.constant 0.000000e+00 : f32
    %broadcast_in_dim3A_8 = vector.broadcast %broadcast_in_dim3A : f32 to vector<16xf32>
    %scan3A = arith.constant 0 : i32
    %scan3A_9 = arith.constant 0 : i32
    %scan3A_10 = arith.constant 512 : i32
    %scan3A_11 = arith.addi %scan3A_9, %scan3A_10 : i32
    %scan3A_12 = arith.constant 1 : i32
    %scan3A_13 = scf.for %scan3A_29 = %scan3A_9 to %scan3A_11 step %scan3A_12 iter_args(%scan3A_30 = %scan3A) -> (i32)  : i32 {
      %swap3A = arith.index_cast %scan3A_29 : i32 to index
      %swap3A_31 = arith.constant 0 : index
      %swap3A_32 = tpu.vector_load %arg7[%swap3A, %swap3A_31] {strides = array<i32>} : memref<512x80xf32, #tpu.memory_space<vmem>>, vector<1x16xf32>,
      %swap3A_33 = vector.shape_cast %swap3A_32 : vector<1x16xf32> to vector<16xf32>
      %swap3A_34 = vector.shape_cast %broadcast_in_dim3A_8 : vector<16xf32> to vector<1x16xf32>
      tpu.vector_store %arg7[%swap3A, %swap3A_31], %swap3A_34 {strides = array<i32>} : memref<512x80xf32, #tpu.memory_space<vmem>>, vector<1x16xf32>,
      %swap3A_35 = arith.index_cast %scan3A_29 : i32 to index
      %swap3A_36 = arith.constant 16 : index
      %swap3A_37 = tpu.vector_load %arg7[%swap3A_35, %swap3A_36] {strides = array<i32>} : memref<512x80xf32, #tpu.memory_space<vmem>>, vector<1x16xf32>,
      %swap3A_38 = vector.shape_cast %swap3A_37 : vector<1x16xf32> to vector<16xf32>
      %swap3A_39 = vector.shape_cast %broadcast_in_dim3A_8 : vector<16xf32> to vector<1x16xf32>
      tpu.vector_store %arg7[%swap3A_35, %swap3A_36], %swap3A_39 {strides = array<i32>} : memref<512x80xf32, #tpu.memory_space<vmem>>, vector<1x16xf32>,
      %swap3A_40 = arith.index_cast %scan3A_29 : i32 to index
      %swap3A_41 = arith.constant 32 : index
      %swap3A_42 = tpu.vector_load %arg7[%swap3A_40, %swap3A_41] {strides = array<i32>} : memref<512x80xf32, #tpu.memory_space<vmem>>, vector<1x16xf32>,
      %swap3A_43 = vector.shape_cast %swap3A_42 : vector<1x16xf32> to vector<16xf32>
      %swap3A_44 = vector.shape_cast %broadcast_in_dim3A_8 : vector<16xf32> to vector<1x16xf32>
      tpu.vector_store %arg7[%swap3A_40, %swap3A_41], %swap3A_44 {strides = array<i32>} : memref<512x80xf32, #tpu.memory_space<vmem>>, vector<1x16xf32>,
      %swap3A_45 = arith.index_cast %scan3A_29 : i32 to index
      %swap3A_46 = arith.constant 48 : index
      %swap3A_47 = tpu.vector_load %arg7[%swap3A_45, %swap3A_46] {strides = array<i32>} : memref<512x80xf32, #tpu.memory_space<vmem>>, vector<1x16xf32>,
      %swap3A_48 = vector.shape_cast %swap3A_47 : vector<1x16xf32> to vector<16xf32>
      %swap3A_49 = vector.shape_cast %broadcast_in_dim3A_8 : vector<16xf32> to vector<1x16xf32>
      tpu.vector_store %arg7[%swap3A_45, %swap3A_46], %swap3A_49 {strides = array<i32>} : memref<512x80xf32, #tpu.memory_space<vmem>>, vector<1x16xf32>,
      %swap3A_50 = arith.index_cast %scan3A_29 : i32 to index
      %swap3A_51 = arith.constant 64 : index
      %swap3A_52 = tpu.vector_load %arg7[%swap3A_50, %swap3A_51] {strides = array<i32>} : memref<512x80xf32, #tpu.memory_space<vmem>>, vector<1x16xf32>,
      %swap3A_53 = vector.shape_cast %swap3A_52 : vector<1x16xf32> to vector<16xf32>
      %swap3A_54 = vector.shape_cast %broadcast_in_dim3A_8 : vector<16xf32> to vector<1x16xf32>
      tpu.vector_store %arg7[%swap3A_50, %swap3A_51], %swap3A_54 {strides = array<i32>} : memref<512x80xf32, #tpu.memory_space<vmem>>, vector<1x16xf32>,
      %scan3A_55 = arith.constant 0 : i32
      scf.yield %scan3A_55 : i32
    }
    %scan3A_14 = arith.constant 512 : i32
    %dma_wait3A = tpu.memref_slice %arg3[%mul3A_2] : memref<4096xi32, #tpu.memory_space<hbm>> -> memref<128xi32, #tpu.memory_space<hbm>>
    %dma_wait3A_15 = tpu.memref_slice %arg3[%mul3A_2] : memref<4096xi32, #tpu.memory_space<hbm>> -> memref<128xi32, #tpu.memory_space<hbm>>
    tpu.wait_dma2 semaphore(%arg8 : memref<!tpu.dma_semaphore, #tpu.memory_space<semaphore_mem>>) src(%dma_wait3A_15 : memref<128xi32, #tpu.memory_space<hbm>>) dst(%arg6 : memref<128xi32, #tpu.memory_space<vmem>>)
    %dma_wait3A_16 = arith.constant 0 : i32
    %dma_wait3A_17 = tpu.memref_slice %arg2[%mul3A_2, %dma_wait3A_16] : memref<4096x64xf32, #tpu.memory_space<hbm>> -> memref<128x64xf32, #tpu.memory_space<hbm>>
    %dma_wait3A_18 = arith.constant 0 : i32
    %dma_wait3A_19 = tpu.memref_slice %arg2[%mul3A_2, %dma_wait3A_18] : memref<4096x64xf32, #tpu.memory_space<hbm>> -> memref<128x64xf32, #tpu.memory_space<hbm>>
    tpu.wait_dma2 semaphore(%arg9 : memref<!tpu.dma_semaphore, #tpu.memory_space<semaphore_mem>>) src(%dma_wait3A_19 : memref<128x64xf32, #tpu.memory_space<hbm>>) dst(%arg5 : memref<128x64xf32, #tpu.memory_space<vmem>>)
    %broadcast_in_dim3A_20 = arith.constant 1.000000e+00 : f32
    %broadcast_in_dim3A_21 = vector.broadcast %broadcast_in_dim3A_20 : f32 to vector<16xf32>
    %scan3A_22 = arith.constant 0 : i32
    %scan3A_23 = arith.constant 0 : i32
    %scan3A_24 = arith.constant 8 : i32
    %scan3A_25 = arith.addi %scan3A_23, %scan3A_24 : i32
    %scan3A_26 = arith.constant 1 : i32
    %scan3A_27 = scf.for %scan3A_29 = %scan3A_23 to %scan3A_25 step %scan3A_26 iter_args(%scan3A_30 = %scan3A_22) -> (i32)  : i32 {
      %mul3A_31 = arith.constant 16 : i32
      %mul3A_32 = arith.muli %scan3A_29, %mul3A_31 : i32
      %get3A = arith.index_cast %mul3A_32 : i32 to index
      %get3A_33 = tpu.vector_load %arg6[%get3A] {strides = array<i32>} : memref<128xi32, #tpu.memory_space<vmem>>, vector<16xi32>,
      %get3A_34 = vector.shape_cast %get3A_33 : vector<16xi32> to vector<16xi32>
      %slice3A = vector.extract_strided_slice %get3A_34 {offsets = [0], sizes = [1], strides = [1]} : vector<16xi32> to vector<1xi32>
      %squeeze3A = vector.extract %slice3A[0] : i32 from vector<1xi32>
      %mul3A_35 = arith.constant 16 : i32
      %mul3A_36 = arith.muli %scan3A_29, %mul3A_35 : i32
      %add3A_37 = arith.constant 0 : i32
      %add3A_38 = arith.addi %mul3A_36, %add3A_37 : i32
      %get3A_39 = arith.index_cast %add3A_38 : i32 to index
      %get3A_40 = arith.constant 0 : index
      %get3A_41 = tpu.vector_load %arg5[%get3A_39, %get3A_40] {strides = array<i32>} : memref<128x64xf32, #tpu.memory_space<vmem>>, vector<1x16xf32>,
      %get3A_42 = vector.shape_cast %get3A_41 : vector<1x16xf32> to vector<16xf32>
      %swap3A = arith.index_cast %squeeze3A : i32 to index
      %swap3A_43 = arith.constant 0 : index
      %swap3A_44 = tpu.vector_load %arg7[%swap3A, %swap3A_43] {strides = array<i32>} : memref<512x80xf32, #tpu.memory_space<vmem>>, vector<1x16xf32>,
      %swap3A_45 = vector.shape_cast %swap3A_44 : vector<1x16xf32> to vector<16xf32>
      %swap3A_46 = vector.shape_cast %get3A_42 : vector<16xf32> to vector<1x16xf32>
      tpu.vector_store %arg7[%swap3A, %swap3A_43], %swap3A_46 {add = true, strides = array<i32>} : memref<512x80xf32, #tpu.memory_space<vmem>>, vector<1x16xf32>,
      %get3A_47 = arith.index_cast %add3A_38 : i32 to index
      %get3A_48 = arith.constant 16 : index
      %get3A_49 = tpu.vector_load %arg5[%get3A_47, %get3A_48] {strides = array<i32>} : memref<128x64xf32, #tpu.memory_space<vmem>>, vector<1x16xf32>,
      %get3A_50 = vector.shape_cast %get3A_49 : vector<1x16xf32> to vector<16xf32>
      %swap3A_51 = arith.index_cast %squeeze3A : i32 to index
      %swap3A_52 = arith.constant 16 : index
      %swap3A_53 = tpu.vector_load %arg7[%swap3A_51, %swap3A_52] {strides = array<i32>} : memref<512x80xf32, #tpu.memory_space<vmem>>, vector<1x16xf32>,
      %swap3A_54 = vector.shape_cast %swap3A_53 : vector<1x16xf32> to vector<16xf32>
      %swap3A_55 = vector.shape_cast %get3A_50 : vector<16xf32> to vector<1x16xf32>
      tpu.vector_store %arg7[%swap3A_51, %swap3A_52], %swap3A_55 {add = true, strides = array<i32>} : memref<512x80xf32, #tpu.memory_space<vmem>>, vector<1x16xf32>,
      %get3A_56 = arith.index_cast %add3A_38 : i32 to index
      %get3A_57 = arith.constant 32 : index
      %get3A_58 = tpu.vector_load %arg5[%get3A_56, %get3A_57] {strides = array<i32>} : memref<128x64xf32, #tpu.memory_space<vmem>>, vector<1x16xf32>,
      %get3A_59 = vector.shape_cast %get3A_58 : vector<1x16xf32> to vector<16xf32>
      %swap3A_60 = arith.index_cast %squeeze3A : i32 to index
      %swap3A_61 = arith.constant 32 : index
      %swap3A_62 = tpu.vector_load %arg7[%swap3A_60, %swap3A_61] {strides = array<i32>} : memref<512x80xf32, #tpu.memory_space<vmem>>, vector<1x16xf32>,
      %swap3A_63 = vector.shape_cast %swap3A_62 : vector<1x16xf32> to vector<16xf32>
      %swap3A_64 = vector.shape_cast %get3A_59 : vector<16xf32> to vector<1x16xf32>
      tpu.vector_store %arg7[%swap3A_60, %swap3A_61], %swap3A_64 {add = true, strides = array<i32>} : memref<512x80xf32, #tpu.memory_space<vmem>>, vector<1x16xf32>,
      %get3A_65 = arith.index_cast %add3A_38 : i32 to index
      %get3A_66 = arith.constant 48 : index
      %get3A_67 = tpu.vector_load %arg5[%get3A_65, %get3A_66] {strides = array<i32>} : memref<128x64xf32, #tpu.memory_space<vmem>>, vector<1x16xf32>,
      %get3A_68 = vector.shape_cast %get3A_67 : vector<1x16xf32> to vector<16xf32>
      %swap3A_69 = arith.index_cast %squeeze3A : i32 to index
      %swap3A_70 = arith.constant 48 : index
      %swap3A_71 = tpu.vector_load %arg7[%swap3A_69, %swap3A_70] {strides = array<i32>} : memref<512x80xf32, #tpu.memory_space<vmem>>, vector<1x16xf32>,
      %swap3A_72 = vector.shape_cast %swap3A_71 : vector<1x16xf32> to vector<16xf32>
      %swap3A_73 = vector.shape_cast %get3A_68 : vector<16xf32> to vector<1x16xf32>
      tpu.vector_store %arg7[%swap3A_69, %swap3A_70], %swap3A_73 {add = true, strides = array<i32>} : memref<512x80xf32, #tpu.memory_space<vmem>>, vector<1x16xf32>,
      %swap3A_74 = arith.index_cast %squeeze3A : i32 to index
      %swap3A_75 = arith.constant 64 : index
      %swap3A_76 = tpu.vector_load %arg7[%swap3A_74, %swap3A_75] {strides = array<i32>} : memref<512x80xf32, #tpu.memory_space<vmem>>, vector<1x16xf32>,
      %swap3A_77 = vector.shape_cast %swap3A_76 : vector<1x16xf32> to vector<16xf32>
      %swap3A_78 = vector.shape_cast %broadcast_in_dim3A_21 : vector<16xf32> to vector<1x16xf32>
      tpu.vector_store %arg7[%swap3A_74, %swap3A_75], %swap3A_78 {add = true, strides = array<i32>} : memref<512x80xf32, #tpu.memory_space<vmem>>, vector<1x16xf32>,
      %slice3A_79 = vector.extract_strided_slice %get3A_34 {offsets = [1], sizes = [1], strides = [1]} : vector<16xi32> to vector<1xi32>
      %squeeze3A_80 = vector.extract %slice3A_79[0] : i32 from vector<1xi32>
      %mul3A_81 = arith.constant 16 : i32
      %mul3A_82 = arith.muli %scan3A_29, %mul3A_81 : i32
      %add3A_83 = arith.constant 1 : i32
      %add3A_84 = arith.addi %mul3A_82, %add3A_83 : i32
      %get3A_85 = arith.index_cast %add3A_84 : i32 to index
      %get3A_86 = arith.constant 0 : index
      %get3A_87 = tpu.vector_load %arg5[%get3A_85, %get3A_86] {strides = array<i32>} : memref<128x64xf32, #tpu.memory_space<vmem>>, vector<1x16xf32>,
      %get3A_88 = vector.shape_cast %get3A_87 : vector<1x16xf32> to vector<16xf32>
      %swap3A_89 = arith.index_cast %squeeze3A_80 : i32 to index
      %swap3A_90 = arith.constant 0 : index
      %swap3A_91 = tpu.vector_load %arg7[%swap3A_89, %swap3A_90] {strides = array<i32>} : memref<512x80xf32, #tpu.memory_space<vmem>>, vector<1x16xf32>,
      %swap3A_92 = vector.shape_cast %swap3A_91 : vector<1x16xf32> to vector<16xf32>
      %swap3A_93 = vector.shape_cast %get3A_88 : vector<16xf32> to vector<1x16xf32>
      tpu.vector_store %arg7[%swap3A_89, %swap3A_90], %swap3A_93 {add = true, strides = array<i32>} : memref<512x80xf32, #tpu.memory_space<vmem>>, vector<1x16xf32>,
      %get3A_94 = arith.index_cast %add3A_84 : i32 to index
      %get3A_95 = arith.constant 16 : index
      %get3A_96 = tpu.vector_load %arg5[%get3A_94, %get3A_95] {strides = array<i32>} : memref<128x64xf32, #tpu.memory_space<vmem>>, vector<1x16xf32>,
      %get3A_97 = vector.shape_cast %get3A_96 : vector<1x16xf32> to vector<16xf32>
      %swap3A_98 = arith.index_cast %squeeze3A_80 : i32 to index
      %swap3A_99 = arith.constant 16 : index
      %swap3A_100 = tpu.vector_load %arg7[%swap3A_98, %swap3A_99] {strides = array<i32>} : memref<512x80xf32, #tpu.memory_space<vmem>>, vector<1x16xf32>,
      %swap3A_101 = vector.shape_cast %swap3A_100 : vector<1x16xf32> to vector<16xf32>
      %swap3A_102 = vector.shape_cast %get3A_97 : vector<16xf32> to vector<1x16xf32>
      tpu.vector_store %arg7[%swap3A_98, %swap3A_99], %swap3A_102 {add = true, strides = array<i32>} : memref<512x80xf32, #tpu.memory_space<vmem>>, vector<1x16xf32>,
      %get3A_103 = arith.index_cast %add3A_84 : i32 to index
      %get3A_104 = arith.constant 32 : index
      %get3A_105 = tpu.vector_load %arg5[%get3A_103, %get3A_104] {strides = array<i32>} : memref<128x64xf32, #tpu.memory_space<vmem>>, vector<1x16xf32>,
      %get3A_106 = vector.shape_cast %get3A_105 : vector<1x16xf32> to vector<16xf32>
      %swap3A_107 = arith.index_cast %squeeze3A_80 : i32 to index
      %swap3A_108 = arith.constant 32 : index
      %swap3A_109 = tpu.vector_load %arg7[%swap3A_107, %swap3A_108] {strides = array<i32>} : memref<512x80xf32, #tpu.memory_space<vmem>>, vector<1x16xf32>,
      %swap3A_110 = vector.shape_cast %swap3A_109 : vector<1x16xf32> to vector<16xf32>
      %swap3A_111 = vector.shape_cast %get3A_106 : vector<16xf32> to vector<1x16xf32>
      tpu.vector_store %arg7[%swap3A_107, %swap3A_108], %swap3A_111 {add = true, strides = array<i32>} : memref<512x80xf32, #tpu.memory_space<vmem>>, vector<1x16xf32>,
      %get3A_112 = arith.index_cast %add3A_84 : i32 to index
      %get3A_113 = arith.constant 48 : index
      %get3A_114 = tpu.vector_load %arg5[%get3A_112, %get3A_113] {strides = array<i32>} : memref<128x64xf32, #tpu.memory_space<vmem>>, vector<1x16xf32>,
      %get3A_115 = vector.shape_cast %get3A_114 : vector<1x16xf32> to vector<16xf32>
      %swap3A_116 = arith.index_cast %squeeze3A_80 : i32 to index
      %swap3A_117 = arith.constant 48 : index
      %swap3A_118 = tpu.vector_load %arg7[%swap3A_116, %swap3A_117] {strides = array<i32>} : memref<512x80xf32, #tpu.memory_space<vmem>>, vector<1x16xf32>,
      %swap3A_119 = vector.shape_cast %swap3A_118 : vector<1x16xf32> to vector<16xf32>
      %swap3A_120 = vector.shape_cast %get3A_115 : vector<16xf32> to vector<1x16xf32>
      tpu.vector_store %arg7[%swap3A_116, %swap3A_117], %swap3A_120 {add = true, strides = array<i32>} : memref<512x80xf32, #tpu.memory_space<vmem>>, vector<1x16xf32>,
      %swap3A_121 = arith.index_cast %squeeze3A_80 : i32 to index
      %swap3A_122 = arith.constant 64 : index
      %swap3A_123 = tpu.vector_load %arg7[%swap3A_121, %swap3A_122] {strides = array<i32>} : memref<512x80xf32, #tpu.memory_space<vmem>>, vector<1x16xf32>,
      %swap3A_124 = vector.shape_cast %swap3A_123 : vector<1x16xf32> to vector<16xf32>
      %swap3A_125 = vector.shape_cast %broadcast_in_dim3A_21 : vector<16xf32> to vector<1x16xf32>
      tpu.vector_store %arg7[%swap3A_121, %swap3A_122], %swap3A_125 {add = true, strides = array<i32>} : memref<512x80xf32, #tpu.memory_space<vmem>>, vector<1x16xf32>,
      %slice3A_126 = vector.extract_strided_slice %get3A_34 {offsets = [2], sizes = [1], strides = [1]} : vector<16xi32> to vector<1xi32>
      %squeeze3A_127 = vector.extract %slice3A_126[0] : i32 from vector<1xi32>
      %mul3A_128 = arith.constant 16 : i32
      %mul3A_129 = arith.muli %scan3A_29, %mul3A_128 : i32
      %add3A_130 = arith.constant 2 : i32
      %add3A_131 = arith.addi %mul3A_129, %add3A_130 : i32
      %get3A_132 = arith.index_cast %add3A_131 : i32 to index
      %get3A_133 = arith.constant 0 : index
      %get3A_134 = tpu.vector_load %arg5[%get3A_132, %get3A_133] {strides = array<i32>} : memref<128x64xf32, #tpu.memory_space<vmem>>, vector<1x16xf32>,
      %get3A_135 = vector.shape_cast %get3A_134 : vector<1x16xf32> to vector<16xf32>
      %swap3A_136 = arith.index_cast %squeeze3A_127 : i32 to index
      %swap3A_137 = arith.constant 0 : index
      %swap3A_138 = tpu.vector_load %arg7[%swap3A_136, %swap3A_137] {strides = array<i32>} : memref<512x80xf32, #tpu.memory_space<vmem>>, vector<1x16xf32>,
      %swap3A_139 = vector.shape_cast %swap3A_138 : vector<1x16xf32> to vector<16xf32>
      %swap3A_140 = vector.shape_cast %get3A_135 : vector<16xf32> to vector<1x16xf32>
      tpu.vector_store %arg7[%swap3A_136, %swap3A_137], %swap3A_140 {add = true, strides = array<i32>} : memref<512x80xf32, #tpu.memory_space<vmem>>, vector<1x16xf32>,
      %get3A_141 = arith.index_cast %add3A_131 : i32 to index
      %get3A_142 = arith.constant 16 : index
      %get3A_143 = tpu.vector_load %arg5[%get3A_141, %get3A_142] {strides = array<i32>} : memref<128x64xf32, #tpu.memory_space<vmem>>, vector<1x16xf32>,
      %get3A_144 = vector.shape_cast %get3A_143 : vector<1x16xf32> to vector<16xf32>
      %swap3A_145 = arith.index_cast %squeeze3A_127 : i32 to index
      %swap3A_146 = arith.constant 16 : index
      %swap3A_147 = tpu.vector_load %arg7[%swap3A_145, %swap3A_146] {strides = array<i32>} : memref<512x80xf32, #tpu.memory_space<vmem>>, vector<1x16xf32>,
      %swap3A_148 = vector.shape_cast %swap3A_147 : vector<1x16xf32> to vector<16xf32>
      %swap3A_149 = vector.shape_cast %get3A_144 : vector<16xf32> to vector<1x16xf32>
      tpu.vector_store %arg7[%swap3A_145, %swap3A_146], %swap3A_149 {add = true, strides = array<i32>} : memref<512x80xf32, #tpu.memory_space<vmem>>, vector<1x16xf32>,
      %get3A_150 = arith.index_cast %add3A_131 : i32 to index
      %get3A_151 = arith.constant 32 : index
      %get3A_152 = tpu.vector_load %arg5[%get3A_150, %get3A_151] {strides = array<i32>} : memref<128x64xf32, #tpu.memory_space<vmem>>, vector<1x16xf32>,
      %get3A_153 = vector.shape_cast %get3A_152 : vector<1x16xf32> to vector<16xf32>
      %swap3A_154 = arith.index_cast %squeeze3A_127 : i32 to index
      %swap3A_155 = arith.constant 32 : index
      %swap3A_156 = tpu.vector_load %arg7[%swap3A_154, %swap3A_155] {strides = array<i32>} : memref<512x80xf32, #tpu.memory_space<vmem>>, vector<1x16xf32>,
      %swap3A_157 = vector.shape_cast %swap3A_156 : vector<1x16xf32> to vector<16xf32>
      %swap3A_158 = vector.shape_cast %get3A_153 : vector<16xf32> to vector<1x16xf32>
      tpu.vector_store %arg7[%swap3A_154, %swap3A_155], %swap3A_158 {add = true, strides = array<i32>} : memref<512x80xf32, #tpu.memory_space<vmem>>, vector<1x16xf32>,
      %get3A_159 = arith.index_cast %add3A_131 : i32 to index
      %get3A_160 = arith.constant 48 : index
      %get3A_161 = tpu.vector_load %arg5[%get3A_159, %get3A_160] {strides = array<i32>} : memref<128x64xf32, #tpu.memory_space<vmem>>, vector<1x16xf32>,
      %get3A_162 = vector.shape_cast %get3A_161 : vector<1x16xf32> to vector<16xf32>
      %swap3A_163 = arith.index_cast %squeeze3A_127 : i32 to index
      %swap3A_164 = arith.constant 48 : index
      %swap3A_165 = tpu.vector_load %arg7[%swap3A_163, %swap3A_164] {strides = array<i32>} : memref<512x80xf32, #tpu.memory_space<vmem>>, vector<1x16xf32>,
      %swap3A_166 = vector.shape_cast %swap3A_165 : vector<1x16xf32> to vector<16xf32>
      %swap3A_167 = vector.shape_cast %get3A_162 : vector<16xf32> to vector<1x16xf32>
      tpu.vector_store %arg7[%swap3A_163, %swap3A_164], %swap3A_167 {add = true, strides = array<i32>} : memref<512x80xf32, #tpu.memory_space<vmem>>, vector<1x16xf32>,
      %swap3A_168 = arith.index_cast %squeeze3A_127 : i32 to index
      %swap3A_169 = arith.constant 64 : index
      %swap3A_170 = tpu.vector_load %arg7[%swap3A_168, %swap3A_169] {strides = array<i32>} : memref<512x80xf32, #tpu.memory_space<vmem>>, vector<1x16xf32>,
      %swap3A_171 = vector.shape_cast %swap3A_170 : vector<1x16xf32> to vector<16xf32>
      %swap3A_172 = vector.shape_cast %broadcast_in_dim3A_21 : vector<16xf32> to vector<1x16xf32>
      tpu.vector_store %arg7[%swap3A_168, %swap3A_169], %swap3A_172 {add = true, strides = array<i32>} : memref<512x80xf32, #tpu.memory_space<vmem>>, vector<1x16xf32>,
      %slice3A_173 = vector.extract_strided_slice %get3A_34 {offsets = [3], sizes = [1], strides = [1]} : vector<16xi32> to vector<1xi32>
      %squeeze3A_174 = vector.extract %slice3A_173[0] : i32 from vector<1xi32>
      %mul3A_175 = arith.constant 16 : i32
      %mul3A_176 = arith.muli %scan3A_29, %mul3A_175 : i32
      %add3A_177 = arith.constant 3 : i32
      %add3A_178 = arith.addi %mul3A_176, %add3A_177 : i32
      %get3A_179 = arith.index_cast %add3A_178 : i32 to index
      %get3A_180 = arith.constant 0 : index
      %get3A_181 = tpu.vector_load %arg5[%get3A_179, %get3A_180] {strides = array<i32>} : memref<128x64xf32, #tpu.memory_space<vmem>>, vector<1x16xf32>,
      %get3A_182 = vector.shape_cast %get3A_181 : vector<1x16xf32> to vector<16xf32>
      %swap3A_183 = arith.index_cast %squeeze3A_174 : i32 to index
      %swap3A_184 = arith.constant 0 : index
      %swap3A_185 = tpu.vector_load %arg7[%swap3A_183, %swap3A_184] {strides = array<i32>} : memref<512x80xf32, #tpu.memory_space<vmem>>, vector<1x16xf32>,
      %swap3A_186 = vector.shape_cast %swap3A_185 : vector<1x16xf32> to vector<16xf32>
      %swap3A_187 = vector.shape_cast %get3A_182 : vector<16xf32> to vector<1x16xf32>
      tpu.vector_store %arg7[%swap3A_183, %swap3A_184], %swap3A_187 {add = true, strides = array<i32>} : memref<512x80xf32, #tpu.memory_space<vmem>>, vector<1x16xf32>,
      %get3A_188 = arith.index_cast %add3A_178 : i32 to index
      %get3A_189 = arith.constant 16 : index
      %get3A_190 = tpu.vector_load %arg5[%get3A_188, %get3A_189] {strides = array<i32>} : memref<128x64xf32, #tpu.memory_space<vmem>>, vector<1x16xf32>,
      %get3A_191 = vector.shape_cast %get3A_190 : vector<1x16xf32> to vector<16xf32>
      %swap3A_192 = arith.index_cast %squeeze3A_174 : i32 to index
      %swap3A_193 = arith.constant 16 : index
      %swap3A_194 = tpu.vector_load %arg7[%swap3A_192, %swap3A_193] {strides = array<i32>} : memref<512x80xf32, #tpu.memory_space<vmem>>, vector<1x16xf32>,
      %swap3A_195 = vector.shape_cast %swap3A_194 : vector<1x16xf32> to vector<16xf32>
      %swap3A_196 = vector.shape_cast %get3A_191 : vector<16xf32> to vector<1x16xf32>
      tpu.vector_store %arg7[%swap3A_192, %swap3A_193], %swap3A_196 {add = true, strides = array<i32>} : memref<512x80xf32, #tpu.memory_space<vmem>>, vector<1x16xf32>,
      %get3A_197 = arith.index_cast %add3A_178 : i32 to index
      %get3A_198 = arith.constant 32 : index
      %get3A_199 = tpu.vector_load %arg5[%get3A_197, %get3A_198] {strides = array<i32>} : memref<128x64xf32, #tpu.memory_space<vmem>>, vector<1x16xf32>,
      %get3A_200 = vector.shape_cast %get3A_199 : vector<1x16xf32> to vector<16xf32>
      %swap3A_201 = arith.index_cast %squeeze3A_174 : i32 to index
      %swap3A_202 = arith.constant 32 : index
      %swap3A_203 = tpu.vector_load %arg7[%swap3A_201, %swap3A_202] {strides = array<i32>} : memref<512x80xf32, #tpu.memory_space<vmem>>, vector<1x16xf32>,
      %swap3A_204 = vector.shape_cast %swap3A_203 : vector<1x16xf32> to vector<16xf32>
      %swap3A_205 = vector.shape_cast %get3A_200 : vector<16xf32> to vector<1x16xf32>
      tpu.vector_store %arg7[%swap3A_201, %swap3A_202], %swap3A_205 {add = true, strides = array<i32>} : memref<512x80xf32, #tpu.memory_space<vmem>>, vector<1x16xf32>,
      %get3A_206 = arith.index_cast %add3A_178 : i32 to index
      %get3A_207 = arith.constant 48 : index
      %get3A_208 = tpu.vector_load %arg5[%get3A_206, %get3A_207] {strides = array<i32>} : memref<128x64xf32, #tpu.memory_space<vmem>>, vector<1x16xf32>,
      %get3A_209 = vector.shape_cast %get3A_208 : vector<1x16xf32> to vector<16xf32>
      %swap3A_210 = arith.index_cast %squeeze3A_174 : i32 to index
      %swap3A_211 = arith.constant 48 : index
      %swap3A_212 = tpu.vector_load %arg7[%swap3A_210, %swap3A_211] {strides = array<i32>} : memref<512x80xf32, #tpu.memory_space<vmem>>, vector<1x16xf32>,
      %swap3A_213 = vector.shape_cast %swap3A_212 : vector<1x16xf32> to vector<16xf32>
      %swap3A_214 = vector.shape_cast %get3A_209 : vector<16xf32> to vector<1x16xf32>
      tpu.vector_store %arg7[%swap3A_210, %swap3A_211], %swap3A_214 {add = true, strides = array<i32>} : memref<512x80xf32, #tpu.memory_space<vmem>>, vector<1x16xf32>,
      %swap3A_215 = arith.index_cast %squeeze3A_174 : i32 to index
      %swap3A_216 = arith.constant 64 : index
      %swap3A_217 = tpu.vector_load %arg7[%swap3A_215, %swap3A_216] {strides = array<i32>} : memref<512x80xf32, #tpu.memory_space<vmem>>, vector<1x16xf32>,
      %swap3A_218 = vector.shape_cast %swap3A_217 : vector<1x16xf32> to vector<16xf32>
      %swap3A_219 = vector.shape_cast %broadcast_in_dim3A_21 : vector<16xf32> to vector<1x16xf32>
      tpu.vector_store %arg7[%swap3A_215, %swap3A_216], %swap3A_219 {add = true, strides = array<i32>} : memref<512x80xf32, #tpu.memory_space<vmem>>, vector<1x16xf32>,
      %slice3A_220 = vector.extract_strided_slice %get3A_34 {offsets = [4], sizes = [1], strides = [1]} : vector<16xi32> to vector<1xi32>
      %squeeze3A_221 = vector.extract %slice3A_220[0] : i32 from vector<1xi32>
      %mul3A_222 = arith.constant 16 : i32
      %mul3A_223 = arith.muli %scan3A_29, %mul3A_222 : i32
      %add3A_224 = arith.constant 4 : i32
      %add3A_225 = arith.addi %mul3A_223, %add3A_224 : i32
      %get3A_226 = arith.index_cast %add3A_225 : i32 to index
      %get3A_227 = arith.constant 0 : index
      %get3A_228 = tpu.vector_load %arg5[%get3A_226, %get3A_227] {strides = array<i32>} : memref<128x64xf32, #tpu.memory_space<vmem>>, vector<1x16xf32>,
      %get3A_229 = vector.shape_cast %get3A_228 : vector<1x16xf32> to vector<16xf32>
      %swap3A_230 = arith.index_cast %squeeze3A_221 : i32 to index
      %swap3A_231 = arith.constant 0 : index
      %swap3A_232 = tpu.vector_load %arg7[%swap3A_230, %swap3A_231] {strides = array<i32>} : memref<512x80xf32, #tpu.memory_space<vmem>>, vector<1x16xf32>,
      %swap3A_233 = vector.shape_cast %swap3A_232 : vector<1x16xf32> to vector<16xf32>
      %swap3A_234 = vector.shape_cast %get3A_229 : vector<16xf32> to vector<1x16xf32>
      tpu.vector_store %arg7[%swap3A_230, %swap3A_231], %swap3A_234 {add = true, strides = array<i32>} : memref<512x80xf32, #tpu.memory_space<vmem>>, vector<1x16xf32>,
      %get3A_235 = arith.index_cast %add3A_225 : i32 to index
      %get3A_236 = arith.constant 16 : index
      %get3A_237 = tpu.vector_load %arg5[%get3A_235, %get3A_236] {strides = array<i32>} : memref<128x64xf32, #tpu.memory_space<vmem>>, vector<1x16xf32>,
      %get3A_238 = vector.shape_cast %get3A_237 : vector<1x16xf32> to vector<16xf32>
      %swap3A_239 = arith.index_cast %squeeze3A_221 : i32 to index
      %swap3A_240 = arith.constant 16 : index
      %swap3A_241 = tpu.vector_load %arg7[%swap3A_239, %swap3A_240] {strides = array<i32>} : memref<512x80xf32, #tpu.memory_space<vmem>>, vector<1x16xf32>,
      %swap3A_242 = vector.shape_cast %swap3A_241 : vector<1x16xf32> to vector<16xf32>
      %swap3A_243 = vector.shape_cast %get3A_238 : vector<16xf32> to vector<1x16xf32>
      tpu.vector_store %arg7[%swap3A_239, %swap3A_240], %swap3A_243 {add = true, strides = array<i32>} : memref<512x80xf32, #tpu.memory_space<vmem>>, vector<1x16xf32>,
      %get3A_244 = arith.index_cast %add3A_225 : i32 to index
      %get3A_245 = arith.constant 32 : index
      %get3A_246 = tpu.vector_load %arg5[%get3A_244, %get3A_245] {strides = array<i32>} : memref<128x64xf32, #tpu.memory_space<vmem>>, vector<1x16xf32>,
      %get3A_247 = vector.shape_cast %get3A_246 : vector<1x16xf32> to vector<16xf32>
      %swap3A_248 = arith.index_cast %squeeze3A_221 : i32 to index
      %swap3A_249 = arith.constant 32 : index
      %swap3A_250 = tpu.vector_load %arg7[%swap3A_248, %swap3A_249] {strides = array<i32>} : memref<512x80xf32, #tpu.memory_space<vmem>>, vector<1x16xf32>,
      %swap3A_251 = vector.shape_cast %swap3A_250 : vector<1x16xf32> to vector<16xf32>
      %swap3A_252 = vector.shape_cast %get3A_247 : vector<16xf32> to vector<1x16xf32>
      tpu.vector_store %arg7[%swap3A_248, %swap3A_249], %swap3A_252 {add = true, strides = array<i32>} : memref<512x80xf32, #tpu.memory_space<vmem>>, vector<1x16xf32>,
      %get3A_253 = arith.index_cast %add3A_225 : i32 to index
      %get3A_254 = arith.constant 48 : index
      %get3A_255 = tpu.vector_load %arg5[%get3A_253, %get3A_254] {strides = array<i32>} : memref<128x64xf32, #tpu.memory_space<vmem>>, vector<1x16xf32>,
      %get3A_256 = vector.shape_cast %get3A_255 : vector<1x16xf32> to vector<16xf32>
      %swap3A_257 = arith.index_cast %squeeze3A_221 : i32 to index
      %swap3A_258 = arith.constant 48 : index
      %swap3A_259 = tpu.vector_load %arg7[%swap3A_257, %swap3A_258] {strides = array<i32>} : memref<512x80xf32, #tpu.memory_space<vmem>>, vector<1x16xf32>,
      %swap3A_260 = vector.shape_cast %swap3A_259 : vector<1x16xf32> to vector<16xf32>
      %swap3A_261 = vector.shape_cast %get3A_256 : vector<16xf32> to vector<1x16xf32>
      tpu.vector_store %arg7[%swap3A_257, %swap3A_258], %swap3A_261 {add = true, strides = array<i32>} : memref<512x80xf32, #tpu.memory_space<vmem>>, vector<1x16xf32>,
      %swap3A_262 = arith.index_cast %squeeze3A_221 : i32 to index
      %swap3A_263 = arith.constant 64 : index
      %swap3A_264 = tpu.vector_load %arg7[%swap3A_262, %swap3A_263] {strides = array<i32>} : memref<512x80xf32, #tpu.memory_space<vmem>>, vector<1x16xf32>,
      %swap3A_265 = vector.shape_cast %swap3A_264 : vector<1x16xf32> to vector<16xf32>
      %swap3A_266 = vector.shape_cast %broadcast_in_dim3A_21 : vector<16xf32> to vector<1x16xf32>
      tpu.vector_store %arg7[%swap3A_262, %swap3A_263], %swap3A_266 {add = true, strides = array<i32>} : memref<512x80xf32, #tpu.memory_space<vmem>>, vector<1x16xf32>,
      %slice3A_267 = vector.extract_strided_slice %get3A_34 {offsets = [5], sizes = [1], strides = [1]} : vector<16xi32> to vector<1xi32>
      %squeeze3A_268 = vector.extract %slice3A_267[0] : i32 from vector<1xi32>
      %mul3A_269 = arith.constant 16 : i32
      %mul3A_270 = arith.muli %scan3A_29, %mul3A_269 : i32
      %add3A_271 = arith.constant 5 : i32
      %add3A_272 = arith.addi %mul3A_270, %add3A_271 : i32
      %get3A_273 = arith.index_cast %add3A_272 : i32 to index
      %get3A_274 = arith.constant 0 : index
      %get3A_275 = tpu.vector_load %arg5[%get3A_273, %get3A_274] {strides = array<i32>} : memref<128x64xf32, #tpu.memory_space<vmem>>, vector<1x16xf32>,
      %get3A_276 = vector.shape_cast %get3A_275 : vector<1x16xf32> to vector<16xf32>
      %swap3A_277 = arith.index_cast %squeeze3A_268 : i32 to index
      %swap3A_278 = arith.constant 0 : index
      %swap3A_279 = tpu.vector_load %arg7[%swap3A_277, %swap3A_278] {strides = array<i32>} : memref<512x80xf32, #tpu.memory_space<vmem>>, vector<1x16xf32>,
      %swap3A_280 = vector.shape_cast %swap3A_279 : vector<1x16xf32> to vector<16xf32>
      %swap3A_281 = vector.shape_cast %get3A_276 : vector<16xf32> to vector<1x16xf32>
      tpu.vector_store %arg7[%swap3A_277, %swap3A_278], %swap3A_281 {add = true, strides = array<i32>} : memref<512x80xf32, #tpu.memory_space<vmem>>, vector<1x16xf32>,
      %get3A_282 = arith.index_cast %add3A_272 : i32 to index
      %get3A_283 = arith.constant 16 : index
      %get3A_284 = tpu.vector_load %arg5[%get3A_282, %get3A_283] {strides = array<i32>} : memref<128x64xf32, #tpu.memory_space<vmem>>, vector<1x16xf32>,
      %get3A_285 = vector.shape_cast %get3A_284 : vector<1x16xf32> to vector<16xf32>
      %swap3A_286 = arith.index_cast %squeeze3A_268 : i32 to index
      %swap3A_287 = arith.constant 16 : index
      %swap3A_288 = tpu.vector_load %arg7[%swap3A_286, %swap3A_287] {strides = array<i32>} : memref<512x80xf32, #tpu.memory_space<vmem>>, vector<1x16xf32>,
      %swap3A_289 = vector.shape_cast %swap3A_288 : vector<1x16xf32> to vector<16xf32>
      %swap3A_290 = vector.shape_cast %get3A_285 : vector<16xf32> to vector<1x16xf32>
      tpu.vector_store %arg7[%swap3A_286, %swap3A_287], %swap3A_290 {add = true, strides = array<i32>} : memref<512x80xf32, #tpu.memory_space<vmem>>, vector<1x16xf32>,
      %get3A_291 = arith.index_cast %add3A_272 : i32 to index
      %get3A_292 = arith.constant 32 : index
      %get3A_293 = tpu.vector_load %arg5[%get3A_291, %get3A_292] {strides = array<i32>} : memref<128x64xf32, #tpu.memory_space<vmem>>, vector<1x16xf32>,
      %get3A_294 = vector.shape_cast %get3A_293 : vector<1x16xf32> to vector<16xf32>
      %swap3A_295 = arith.index_cast %squeeze3A_268 : i32 to index
      %swap3A_296 = arith.constant 32 : index
      %swap3A_297 = tpu.vector_load %arg7[%swap3A_295, %swap3A_296] {strides = array<i32>} : memref<512x80xf32, #tpu.memory_space<vmem>>, vector<1x16xf32>,
      %swap3A_298 = vector.shape_cast %swap3A_297 : vector<1x16xf32> to vector<16xf32>
      %swap3A_299 = vector.shape_cast %get3A_294 : vector<16xf32> to vector<1x16xf32>
      tpu.vector_store %arg7[%swap3A_295, %swap3A_296], %swap3A_299 {add = true, strides = array<i32>} : memref<512x80xf32, #tpu.memory_space<vmem>>, vector<1x16xf32>,
      %get3A_300 = arith.index_cast %add3A_272 : i32 to index
      %get3A_301 = arith.constant 48 : index
      %get3A_302 = tpu.vector_load %arg5[%get3A_300, %get3A_301] {strides = array<i32>} : memref<128x64xf32, #tpu.memory_space<vmem>>, vector<1x16xf32>,
      %get3A_303 = vector.shape_cast %get3A_302 : vector<1x16xf32> to vector<16xf32>
      %swap3A_304 = arith.index_cast %squeeze3A_268 : i32 to index
      %swap3A_305 = arith.constant 48 : index
      %swap3A_306 = tpu.vector_load %arg7[%swap3A_304, %swap3A_305] {strides = array<i32>} : memref<512x80xf32, #tpu.memory_space<vmem>>, vector<1x16xf32>,
      %swap3A_307 = vector.shape_cast %swap3A_306 : vector<1x16xf32> to vector<16xf32>
      %swap3A_308 = vector.shape_cast %get3A_303 : vector<16xf32> to vector<1x16xf32>
      tpu.vector_store %arg7[%swap3A_304, %swap3A_305], %swap3A_308 {add = true, strides = array<i32>} : memref<512x80xf32, #tpu.memory_space<vmem>>, vector<1x16xf32>,
      %swap3A_309 = arith.index_cast %squeeze3A_268 : i32 to index
      %swap3A_310 = arith.constant 64 : index
      %swap3A_311 = tpu.vector_load %arg7[%swap3A_309, %swap3A_310] {strides = array<i32>} : memref<512x80xf32, #tpu.memory_space<vmem>>, vector<1x16xf32>,
      %swap3A_312 = vector.shape_cast %swap3A_311 : vector<1x16xf32> to vector<16xf32>
      %swap3A_313 = vector.shape_cast %broadcast_in_dim3A_21 : vector<16xf32> to vector<1x16xf32>
      tpu.vector_store %arg7[%swap3A_309, %swap3A_310], %swap3A_313 {add = true, strides = array<i32>} : memref<512x80xf32, #tpu.memory_space<vmem>>, vector<1x16xf32>,
      %slice3A_314 = vector.extract_strided_slice %get3A_34 {offsets = [6], sizes = [1], strides = [1]} : vector<16xi32> to vector<1xi32>
      %squeeze3A_315 = vector.extract %slice3A_314[0] : i32 from vector<1xi32>
      %mul3A_316 = arith.constant 16 : i32
      %mul3A_317 = arith.muli %scan3A_29, %mul3A_316 : i32
      %add3A_318 = arith.constant 6 : i32
      %add3A_319 = arith.addi %mul3A_317, %add3A_318 : i32
      %get3A_320 = arith.index_cast %add3A_319 : i32 to index
      %get3A_321 = arith.constant 0 : index
      %get3A_322 = tpu.vector_load %arg5[%get3A_320, %get3A_321] {strides = array<i32>} : memref<128x64xf32, #tpu.memory_space<vmem>>, vector<1x16xf32>,
      %get3A_323 = vector.shape_cast %get3A_322 : vector<1x16xf32> to vector<16xf32>
      %swap3A_324 = arith.index_cast %squeeze3A_315 : i32 to index
      %swap3A_325 = arith.constant 0 : index
      %swap3A_326 = tpu.vector_load %arg7[%swap3A_324, %swap3A_325] {strides = array<i32>} : memref<512x80xf32, #tpu.memory_space<vmem>>, vector<1x16xf32>,
      %swap3A_327 = vector.shape_cast %swap3A_326 : vector<1x16xf32> to vector<16xf32>
      %swap3A_328 = vector.shape_cast %get3A_323 : vector<16xf32> to vector<1x16xf32>
      tpu.vector_store %arg7[%swap3A_324, %swap3A_325], %swap3A_328 {add = true, strides = array<i32>} : memref<512x80xf32, #tpu.memory_space<vmem>>, vector<1x16xf32>,
      %get3A_329 = arith.index_cast %add3A_319 : i32 to index
      %get3A_330 = arith.constant 16 : index
      %get3A_331 = tpu.vector_load %arg5[%get3A_329, %get3A_330] {strides = array<i32>} : memref<128x64xf32, #tpu.memory_space<vmem>>, vector<1x16xf32>,
      %get3A_332 = vector.shape_cast %get3A_331 : vector<1x16xf32> to vector<16xf32>
      %swap3A_333 = arith.index_cast %squeeze3A_315 : i32 to index
      %swap3A_334 = arith.constant 16 : index
      %swap3A_335 = tpu.vector_load %arg7[%swap3A_333, %swap3A_334] {strides = array<i32>} : memref<512x80xf32, #tpu.memory_space<vmem>>, vector<1x16xf32>,
      %swap3A_336 = vector.shape_cast %swap3A_335 : vector<1x16xf32> to vector<16xf32>
      %swap3A_337 = vector.shape_cast %get3A_332 : vector<16xf32> to vector<1x16xf32>
      tpu.vector_store %arg7[%swap3A_333, %swap3A_334], %swap3A_337 {add = true, strides = array<i32>} : memref<512x80xf32, #tpu.memory_space<vmem>>, vector<1x16xf32>,
      %get3A_338 = arith.index_cast %add3A_319 : i32 to index
      %get3A_339 = arith.constant 32 : index
      %get3A_340 = tpu.vector_load %arg5[%get3A_338, %get3A_339] {strides = array<i32>} : memref<128x64xf32, #tpu.memory_space<vmem>>, vector<1x16xf32>,
      %get3A_341 = vector.shape_cast %get3A_340 : vector<1x16xf32> to vector<16xf32>
      %swap3A_342 = arith.index_cast %squeeze3A_315 : i32 to index
      %swap3A_343 = arith.constant 32 : index
      %swap3A_344 = tpu.vector_load %arg7[%swap3A_342, %swap3A_343] {strides = array<i32>} : memref<512x80xf32, #tpu.memory_space<vmem>>, vector<1x16xf32>,
      %swap3A_345 = vector.shape_cast %swap3A_344 : vector<1x16xf32> to vector<16xf32>
      %swap3A_346 = vector.shape_cast %get3A_341 : vector<16xf32> to vector<1x16xf32>
      tpu.vector_store %arg7[%swap3A_342, %swap3A_343], %swap3A_346 {add = true, strides = array<i32>} : memref<512x80xf32, #tpu.memory_space<vmem>>, vector<1x16xf32>,
      %get3A_347 = arith.index_cast %add3A_319 : i32 to index
      %get3A_348 = arith.constant 48 : index
      %get3A_349 = tpu.vector_load %arg5[%get3A_347, %get3A_348] {strides = array<i32>} : memref<128x64xf32, #tpu.memory_space<vmem>>, vector<1x16xf32>,
      %get3A_350 = vector.shape_cast %get3A_349 : vector<1x16xf32> to vector<16xf32>
      %swap3A_351 = arith.index_cast %squeeze3A_315 : i32 to index
      %swap3A_352 = arith.constant 48 : index
      %swap3A_353 = tpu.vector_load %arg7[%swap3A_351, %swap3A_352] {strides = array<i32>} : memref<512x80xf32, #tpu.memory_space<vmem>>, vector<1x16xf32>,
      %swap3A_354 = vector.shape_cast %swap3A_353 : vector<1x16xf32> to vector<16xf32>
      %swap3A_355 = vector.shape_cast %get3A_350 : vector<16xf32> to vector<1x16xf32>
      tpu.vector_store %arg7[%swap3A_351, %swap3A_352], %swap3A_355 {add = true, strides = array<i32>} : memref<512x80xf32, #tpu.memory_space<vmem>>, vector<1x16xf32>,
      %swap3A_356 = arith.index_cast %squeeze3A_315 : i32 to index
      %swap3A_357 = arith.constant 64 : index
      %swap3A_358 = tpu.vector_load %arg7[%swap3A_356, %swap3A_357] {strides = array<i32>} : memref<512x80xf32, #tpu.memory_space<vmem>>, vector<1x16xf32>,
      %swap3A_359 = vector.shape_cast %swap3A_358 : vector<1x16xf32> to vector<16xf32>
      %swap3A_360 = vector.shape_cast %broadcast_in_dim3A_21 : vector<16xf32> to vector<1x16xf32>
      tpu.vector_store %arg7[%swap3A_356, %swap3A_357], %swap3A_360 {add = true, strides = array<i32>} : memref<512x80xf32, #tpu.memory_space<vmem>>, vector<1x16xf32>,
      %slice3A_361 = vector.extract_strided_slice %get3A_34 {offsets = [7], sizes = [1], strides = [1]} : vector<16xi32> to vector<1xi32>
      %squeeze3A_362 = vector.extract %slice3A_361[0] : i32 from vector<1xi32>
      %mul3A_363 = arith.constant 16 : i32
      %mul3A_364 = arith.muli %scan3A_29, %mul3A_363 : i32
      %add3A_365 = arith.constant 7 : i32
      %add3A_366 = arith.addi %mul3A_364, %add3A_365 : i32
      %get3A_367 = arith.index_cast %add3A_366 : i32 to index
      %get3A_368 = arith.constant 0 : index
      %get3A_369 = tpu.vector_load %arg5[%get3A_367, %get3A_368] {strides = array<i32>} : memref<128x64xf32, #tpu.memory_space<vmem>>, vector<1x16xf32>,
      %get3A_370 = vector.shape_cast %get3A_369 : vector<1x16xf32> to vector<16xf32>
      %swap3A_371 = arith.index_cast %squeeze3A_362 : i32 to index
      %swap3A_372 = arith.constant 0 : index
      %swap3A_373 = tpu.vector_load %arg7[%swap3A_371, %swap3A_372] {strides = array<i32>} : memref<512x80xf32, #tpu.memory_space<vmem>>, vector<1x16xf32>,
      %swap3A_374 = vector.shape_cast %swap3A_373 : vector<1x16xf32> to vector<16xf32>
      %swap3A_375 = vector.shape_cast %get3A_370 : vector<16xf32> to vector<1x16xf32>
      tpu.vector_store %arg7[%swap3A_371, %swap3A_372], %swap3A_375 {add = true, strides = array<i32>} : memref<512x80xf32, #tpu.memory_space<vmem>>, vector<1x16xf32>,
      %get3A_376 = arith.index_cast %add3A_366 : i32 to index
      %get3A_377 = arith.constant 16 : index
      %get3A_378 = tpu.vector_load %arg5[%get3A_376, %get3A_377] {strides = array<i32>} : memref<128x64xf32, #tpu.memory_space<vmem>>, vector<1x16xf32>,
      %get3A_379 = vector.shape_cast %get3A_378 : vector<1x16xf32> to vector<16xf32>
      %swap3A_380 = arith.index_cast %squeeze3A_362 : i32 to index
      %swap3A_381 = arith.constant 16 : index
      %swap3A_382 = tpu.vector_load %arg7[%swap3A_380, %swap3A_381] {strides = array<i32>} : memref<512x80xf32, #tpu.memory_space<vmem>>, vector<1x16xf32>,
      %swap3A_383 = vector.shape_cast %swap3A_382 : vector<1x16xf32> to vector<16xf32>
      %swap3A_384 = vector.shape_cast %get3A_379 : vector<16xf32> to vector<1x16xf32>
      tpu.vector_store %arg7[%swap3A_380, %swap3A_381], %swap3A_384 {add = true, strides = array<i32>} : memref<512x80xf32, #tpu.memory_space<vmem>>, vector<1x16xf32>,
      %get3A_385 = arith.index_cast %add3A_366 : i32 to index
      %get3A_386 = arith.constant 32 : index
      %get3A_387 = tpu.vector_load %arg5[%get3A_385, %get3A_386] {strides = array<i32>} : memref<128x64xf32, #tpu.memory_space<vmem>>, vector<1x16xf32>,
      %get3A_388 = vector.shape_cast %get3A_387 : vector<1x16xf32> to vector<16xf32>
      %swap3A_389 = arith.index_cast %squeeze3A_362 : i32 to index
      %swap3A_390 = arith.constant 32 : index
      %swap3A_391 = tpu.vector_load %arg7[%swap3A_389, %swap3A_390] {strides = array<i32>} : memref<512x80xf32, #tpu.memory_space<vmem>>, vector<1x16xf32>,
      %swap3A_392 = vector.shape_cast %swap3A_391 : vector<1x16xf32> to vector<16xf32>
      %swap3A_393 = vector.shape_cast %get3A_388 : vector<16xf32> to vector<1x16xf32>
      tpu.vector_store %arg7[%swap3A_389, %swap3A_390], %swap3A_393 {add = true, strides = array<i32>} : memref<512x80xf32, #tpu.memory_space<vmem>>, vector<1x16xf32>,
      %get3A_394 = arith.index_cast %add3A_366 : i32 to index
      %get3A_395 = arith.constant 48 : index
      %get3A_396 = tpu.vector_load %arg5[%get3A_394, %get3A_395] {strides = array<i32>} : memref<128x64xf32, #tpu.memory_space<vmem>>, vector<1x16xf32>,
      %get3A_397 = vector.shape_cast %get3A_396 : vector<1x16xf32> to vector<16xf32>
      %swap3A_398 = arith.index_cast %squeeze3A_362 : i32 to index
      %swap3A_399 = arith.constant 48 : index
      %swap3A_400 = tpu.vector_load %arg7[%swap3A_398, %swap3A_399] {strides = array<i32>} : memref<512x80xf32, #tpu.memory_space<vmem>>, vector<1x16xf32>,
      %swap3A_401 = vector.shape_cast %swap3A_400 : vector<1x16xf32> to vector<16xf32>
      %swap3A_402 = vector.shape_cast %get3A_397 : vector<16xf32> to vector<1x16xf32>
      tpu.vector_store %arg7[%swap3A_398, %swap3A_399], %swap3A_402 {add = true, strides = array<i32>} : memref<512x80xf32, #tpu.memory_space<vmem>>, vector<1x16xf32>,
      %swap3A_403 = arith.index_cast %squeeze3A_362 : i32 to index
      %swap3A_404 = arith.constant 64 : index
      %swap3A_405 = tpu.vector_load %arg7[%swap3A_403, %swap3A_404] {strides = array<i32>} : memref<512x80xf32, #tpu.memory_space<vmem>>, vector<1x16xf32>,
      %swap3A_406 = vector.shape_cast %swap3A_405 : vector<1x16xf32> to vector<16xf32>
      %swap3A_407 = vector.shape_cast %broadcast_in_dim3A_21 : vector<16xf32> to vector<1x16xf32>
      tpu.vector_store %arg7[%swap3A_403, %swap3A_404], %swap3A_407 {add = true, strides = array<i32>} : memref<512x80xf32, #tpu.memory_space<vmem>>, vector<1x16xf32>,
      %slice3A_408 = vector.extract_strided_slice %get3A_34 {offsets = [8], sizes = [1], strides = [1]} : vector<16xi32> to vector<1xi32>
      %squeeze3A_409 = vector.extract %slice3A_408[0] : i32 from vector<1xi32>
      %mul3A_410 = arith.constant 16 : i32
      %mul3A_411 = arith.muli %scan3A_29, %mul3A_410 : i32
      %add3A_412 = arith.constant 8 : i32
      %add3A_413 = arith.addi %mul3A_411, %add3A_412 : i32
      %get3A_414 = arith.index_cast %add3A_413 : i32 to index
      %get3A_415 = arith.constant 0 : index
      %get3A_416 = tpu.vector_load %arg5[%get3A_414, %get3A_415] {strides = array<i32>} : memref<128x64xf32, #tpu.memory_space<vmem>>, vector<1x16xf32>,
      %get3A_417 = vector.shape_cast %get3A_416 : vector<1x16xf32> to vector<16xf32>
      %swap3A_418 = arith.index_cast %squeeze3A_409 : i32 to index
      %swap3A_419 = arith.constant 0 : index
      %swap3A_420 = tpu.vector_load %arg7[%swap3A_418, %swap3A_419] {strides = array<i32>} : memref<512x80xf32, #tpu.memory_space<vmem>>, vector<1x16xf32>,
      %swap3A_421 = vector.shape_cast %swap3A_420 : vector<1x16xf32> to vector<16xf32>
      %swap3A_422 = vector.shape_cast %get3A_417 : vector<16xf32> to vector<1x16xf32>
      tpu.vector_store %arg7[%swap3A_418, %swap3A_419], %swap3A_422 {add = true, strides = array<i32>} : memref<512x80xf32, #tpu.memory_space<vmem>>, vector<1x16xf32>,
      %get3A_423 = arith.index_cast %add3A_413 : i32 to index
      %get3A_424 = arith.constant 16 : index
      %get3A_425 = tpu.vector_load %arg5[%get3A_423, %get3A_424] {strides = array<i32>} : memref<128x64xf32, #tpu.memory_space<vmem>>, vector<1x16xf32>,
      %get3A_426 = vector.shape_cast %get3A_425 : vector<1x16xf32> to vector<16xf32>
      %swap3A_427 = arith.index_cast %squeeze3A_409 : i32 to index
      %swap3A_428 = arith.constant 16 : index
      %swap3A_429 = tpu.vector_load %arg7[%swap3A_427, %swap3A_428] {strides = array<i32>} : memref<512x80xf32, #tpu.memory_space<vmem>>, vector<1x16xf32>,
      %swap3A_430 = vector.shape_cast %swap3A_429 : vector<1x16xf32> to vector<16xf32>
      %swap3A_431 = vector.shape_cast %get3A_426 : vector<16xf32> to vector<1x16xf32>
      tpu.vector_store %arg7[%swap3A_427, %swap3A_428], %swap3A_431 {add = true, strides = array<i32>} : memref<512x80xf32, #tpu.memory_space<vmem>>, vector<1x16xf32>,
      %get3A_432 = arith.index_cast %add3A_413 : i32 to index
      %get3A_433 = arith.constant 32 : index
      %get3A_434 = tpu.vector_load %arg5[%get3A_432, %get3A_433] {strides = array<i32>} : memref<128x64xf32, #tpu.memory_space<vmem>>, vector<1x16xf32>,
      %get3A_435 = vector.shape_cast %get3A_434 : vector<1x16xf32> to vector<16xf32>
      %swap3A_436 = arith.index_cast %squeeze3A_409 : i32 to index
      %swap3A_437 = arith.constant 32 : index
      %swap3A_438 = tpu.vector_load %arg7[%swap3A_436, %swap3A_437] {strides = array<i32>} : memref<512x80xf32, #tpu.memory_space<vmem>>, vector<1x16xf32>,
      %swap3A_439 = vector.shape_cast %swap3A_438 : vector<1x16xf32> to vector<16xf32>
      %swap3A_440 = vector.shape_cast %get3A_435 : vector<16xf32> to vector<1x16xf32>
      tpu.vector_store %arg7[%swap3A_436, %swap3A_437], %swap3A_440 {add = true, strides = array<i32>} : memref<512x80xf32, #tpu.memory_space<vmem>>, vector<1x16xf32>,
      %get3A_441 = arith.index_cast %add3A_413 : i32 to index
      %get3A_442 = arith.constant 48 : index
      %get3A_443 = tpu.vector_load %arg5[%get3A_441, %get3A_442] {strides = array<i32>} : memref<128x64xf32, #tpu.memory_space<vmem>>, vector<1x16xf32>,
      %get3A_444 = vector.shape_cast %get3A_443 : vector<1x16xf32> to vector<16xf32>
      %swap3A_445 = arith.index_cast %squeeze3A_409 : i32 to index
      %swap3A_446 = arith.constant 48 : index
      %swap3A_447 = tpu.vector_load %arg7[%swap3A_445, %swap3A_446] {strides = array<i32>} : memref<512x80xf32, #tpu.memory_space<vmem>>, vector<1x16xf32>,
      %swap3A_448 = vector.shape_cast %swap3A_447 : vector<1x16xf32> to vector<16xf32>
      %swap3A_449 = vector.shape_cast %get3A_444 : vector<16xf32> to vector<1x16xf32>
      tpu.vector_store %arg7[%swap3A_445, %swap3A_446], %swap3A_449 {add = true, strides = array<i32>} : memref<512x80xf32, #tpu.memory_space<vmem>>, vector<1x16xf32>,
      %swap3A_450 = arith.index_cast %squeeze3A_409 : i32 to index
      %swap3A_451 = arith.constant 64 : index
      %swap3A_452 = tpu.vector_load %arg7[%swap3A_450, %swap3A_451] {strides = array<i32>} : memref<512x80xf32, #tpu.memory_space<vmem>>, vector<1x16xf32>,
      %swap3A_453 = vector.shape_cast %swap3A_452 : vector<1x16xf32> to vector<16xf32>
      %swap3A_454 = vector.shape_cast %broadcast_in_dim3A_21 : vector<16xf32> to vector<1x16xf32>
      tpu.vector_store %arg7[%swap3A_450, %swap3A_451], %swap3A_454 {add = true, strides = array<i32>} : memref<512x80xf32, #tpu.memory_space<vmem>>, vector<1x16xf32>,
      %slice3A_455 = vector.extract_strided_slice %get3A_34 {offsets = [9], sizes = [1], strides = [1]} : vector<16xi32> to vector<1xi32>
      %squeeze3A_456 = vector.extract %slice3A_455[0] : i32 from vector<1xi32>
      %mul3A_457 = arith.constant 16 : i32
      %mul3A_458 = arith.muli %scan3A_29, %mul3A_457 : i32
      %add3A_459 = arith.constant 9 : i32
      %add3A_460 = arith.addi %mul3A_458, %add3A_459 : i32
      %get3A_461 = arith.index_cast %add3A_460 : i32 to index
      %get3A_462 = arith.constant 0 : index
      %get3A_463 = tpu.vector_load %arg5[%get3A_461, %get3A_462] {strides = array<i32>} : memref<128x64xf32, #tpu.memory_space<vmem>>, vector<1x16xf32>,
      %get3A_464 = vector.shape_cast %get3A_463 : vector<1x16xf32> to vector<16xf32>
      %swap3A_465 = arith.index_cast %squeeze3A_456 : i32 to index
      %swap3A_466 = arith.constant 0 : index
      %swap3A_467 = tpu.vector_load %arg7[%swap3A_465, %swap3A_466] {strides = array<i32>} : memref<512x80xf32, #tpu.memory_space<vmem>>, vector<1x16xf32>,
      %swap3A_468 = vector.shape_cast %swap3A_467 : vector<1x16xf32> to vector<16xf32>
      %swap3A_469 = vector.shape_cast %get3A_464 : vector<16xf32> to vector<1x16xf32>
      tpu.vector_store %arg7[%swap3A_465, %swap3A_466], %swap3A_469 {add = true, strides = array<i32>} : memref<512x80xf32, #tpu.memory_space<vmem>>, vector<1x16xf32>,
      %get3A_470 = arith.index_cast %add3A_460 : i32 to index
      %get3A_471 = arith.constant 16 : index
      %get3A_472 = tpu.vector_load %arg5[%get3A_470, %get3A_471] {strides = array<i32>} : memref<128x64xf32, #tpu.memory_space<vmem>>, vector<1x16xf32>,
      %get3A_473 = vector.shape_cast %get3A_472 : vector<1x16xf32> to vector<16xf32>
      %swap3A_474 = arith.index_cast %squeeze3A_456 : i32 to index
      %swap3A_475 = arith.constant 16 : index
      %swap3A_476 = tpu.vector_load %arg7[%swap3A_474, %swap3A_475] {strides = array<i32>} : memref<512x80xf32, #tpu.memory_space<vmem>>, vector<1x16xf32>,
      %swap3A_477 = vector.shape_cast %swap3A_476 : vector<1x16xf32> to vector<16xf32>
      %swap3A_478 = vector.shape_cast %get3A_473 : vector<16xf32> to vector<1x16xf32>
      tpu.vector_store %arg7[%swap3A_474, %swap3A_475], %swap3A_478 {add = true, strides = array<i32>} : memref<512x80xf32, #tpu.memory_space<vmem>>, vector<1x16xf32>,
      %get3A_479 = arith.index_cast %add3A_460 : i32 to index
      %get3A_480 = arith.constant 32 : index
      %get3A_481 = tpu.vector_load %arg5[%get3A_479, %get3A_480] {strides = array<i32>} : memref<128x64xf32, #tpu.memory_space<vmem>>, vector<1x16xf32>,
      %get3A_482 = vector.shape_cast %get3A_481 : vector<1x16xf32> to vector<16xf32>
      %swap3A_483 = arith.index_cast %squeeze3A_456 : i32 to index
      %swap3A_484 = arith.constant 32 : index
      %swap3A_485 = tpu.vector_load %arg7[%swap3A_483, %swap3A_484] {strides = array<i32>} : memref<512x80xf32, #tpu.memory_space<vmem>>, vector<1x16xf32>,
      %swap3A_486 = vector.shape_cast %swap3A_485 : vector<1x16xf32> to vector<16xf32>
      %swap3A_487 = vector.shape_cast %get3A_482 : vector<16xf32> to vector<1x16xf32>
      tpu.vector_store %arg7[%swap3A_483, %swap3A_484], %swap3A_487 {add = true, strides = array<i32>} : memref<512x80xf32, #tpu.memory_space<vmem>>, vector<1x16xf32>,
      %get3A_488 = arith.index_cast %add3A_460 : i32 to index
      %get3A_489 = arith.constant 48 : index
      %get3A_490 = tpu.vector_load %arg5[%get3A_488, %get3A_489] {strides = array<i32>} : memref<128x64xf32, #tpu.memory_space<vmem>>, vector<1x16xf32>,
      %get3A_491 = vector.shape_cast %get3A_490 : vector<1x16xf32> to vector<16xf32>
      %swap3A_492 = arith.index_cast %squeeze3A_456 : i32 to index
      %swap3A_493 = arith.constant 48 : index
      %swap3A_494 = tpu.vector_load %arg7[%swap3A_492, %swap3A_493] {strides = array<i32>} : memref<512x80xf32, #tpu.memory_space<vmem>>, vector<1x16xf32>,
      %swap3A_495 = vector.shape_cast %swap3A_494 : vector<1x16xf32> to vector<16xf32>
      %swap3A_496 = vector.shape_cast %get3A_491 : vector<16xf32> to vector<1x16xf32>
      tpu.vector_store %arg7[%swap3A_492, %swap3A_493], %swap3A_496 {add = true, strides = array<i32>} : memref<512x80xf32, #tpu.memory_space<vmem>>, vector<1x16xf32>,
      %swap3A_497 = arith.index_cast %squeeze3A_456 : i32 to index
      %swap3A_498 = arith.constant 64 : index
      %swap3A_499 = tpu.vector_load %arg7[%swap3A_497, %swap3A_498] {strides = array<i32>} : memref<512x80xf32, #tpu.memory_space<vmem>>, vector<1x16xf32>,
      %swap3A_500 = vector.shape_cast %swap3A_499 : vector<1x16xf32> to vector<16xf32>
      %swap3A_501 = vector.shape_cast %broadcast_in_dim3A_21 : vector<16xf32> to vector<1x16xf32>
      tpu.vector_store %arg7[%swap3A_497, %swap3A_498], %swap3A_501 {add = true, strides = array<i32>} : memref<512x80xf32, #tpu.memory_space<vmem>>, vector<1x16xf32>,
      %slice3A_502 = vector.extract_strided_slice %get3A_34 {offsets = [10], sizes = [1], strides = [1]} : vector<16xi32> to vector<1xi32>
      %squeeze3A_503 = vector.extract %slice3A_502[0] : i32 from vector<1xi32>
      %mul3A_504 = arith.constant 16 : i32
      %mul3A_505 = arith.muli %scan3A_29, %mul3A_504 : i32
      %add3A_506 = arith.constant 10 : i32
      %add3A_507 = arith.addi %mul3A_505, %add3A_506 : i32
      %get3A_508 = arith.index_cast %add3A_507 : i32 to index
      %get3A_509 = arith.constant 0 : index
      %get3A_510 = tpu.vector_load %arg5[%get3A_508, %get3A_509] {strides = array<i32>} : memref<128x64xf32, #tpu.memory_space<vmem>>, vector<1x16xf32>,
      %get3A_511 = vector.shape_cast %get3A_510 : vector<1x16xf32> to vector<16xf32>
      %swap3A_512 = arith.index_cast %squeeze3A_503 : i32 to index
      %swap3A_513 = arith.constant 0 : index
      %swap3A_514 = tpu.vector_load %arg7[%swap3A_512, %swap3A_513] {strides = array<i32>} : memref<512x80xf32, #tpu.memory_space<vmem>>, vector<1x16xf32>,
      %swap3A_515 = vector.shape_cast %swap3A_514 : vector<1x16xf32> to vector<16xf32>
      %swap3A_516 = vector.shape_cast %get3A_511 : vector<16xf32> to vector<1x16xf32>
      tpu.vector_store %arg7[%swap3A_512, %swap3A_513], %swap3A_516 {add = true, strides = array<i32>} : memref<512x80xf32, #tpu.memory_space<vmem>>, vector<1x16xf32>,
      %get3A_517 = arith.index_cast %add3A_507 : i32 to index
      %get3A_518 = arith.constant 16 : index
      %get3A_519 = tpu.vector_load %arg5[%get3A_517, %get3A_518] {strides = array<i32>} : memref<128x64xf32, #tpu.memory_space<vmem>>, vector<1x16xf32>,
      %get3A_520 = vector.shape_cast %get3A_519 : vector<1x16xf32> to vector<16xf32>
      %swap3A_521 = arith.index_cast %squeeze3A_503 : i32 to index
      %swap3A_522 = arith.constant 16 : index
      %swap3A_523 = tpu.vector_load %arg7[%swap3A_521, %swap3A_522] {strides = array<i32>} : memref<512x80xf32, #tpu.memory_space<vmem>>, vector<1x16xf32>,
      %swap3A_524 = vector.shape_cast %swap3A_523 : vector<1x16xf32> to vector<16xf32>
      %swap3A_525 = vector.shape_cast %get3A_520 : vector<16xf32> to vector<1x16xf32>
      tpu.vector_store %arg7[%swap3A_521, %swap3A_522], %swap3A_525 {add = true, strides = array<i32>} : memref<512x80xf32, #tpu.memory_space<vmem>>, vector<1x16xf32>,
      %get3A_526 = arith.index_cast %add3A_507 : i32 to index
      %get3A_527 = arith.constant 32 : index
      %get3A_528 = tpu.vector_load %arg5[%get3A_526, %get3A_527] {strides = array<i32>} : memref<128x64xf32, #tpu.memory_space<vmem>>, vector<1x16xf32>,
      %get3A_529 = vector.shape_cast %get3A_528 : vector<1x16xf32> to vector<16xf32>
      %swap3A_530 = arith.index_cast %squeeze3A_503 : i32 to index
      %swap3A_531 = arith.constant 32 : index
      %swap3A_532 = tpu.vector_load %arg7[%swap3A_530, %swap3A_531] {strides = array<i32>} : memref<512x80xf32, #tpu.memory_space<vmem>>, vector<1x16xf32>,
      %swap3A_533 = vector.shape_cast %swap3A_532 : vector<1x16xf32> to vector<16xf32>
      %swap3A_534 = vector.shape_cast %get3A_529 : vector<16xf32> to vector<1x16xf32>
      tpu.vector_store %arg7[%swap3A_530, %swap3A_531], %swap3A_534 {add = true, strides = array<i32>} : memref<512x80xf32, #tpu.memory_space<vmem>>, vector<1x16xf32>,
      %get3A_535 = arith.index_cast %add3A_507 : i32 to index
      %get3A_536 = arith.constant 48 : index
      %get3A_537 = tpu.vector_load %arg5[%get3A_535, %get3A_536] {strides = array<i32>} : memref<128x64xf32, #tpu.memory_space<vmem>>, vector<1x16xf32>,
      %get3A_538 = vector.shape_cast %get3A_537 : vector<1x16xf32> to vector<16xf32>
      %swap3A_539 = arith.index_cast %squeeze3A_503 : i32 to index
      %swap3A_540 = arith.constant 48 : index
      %swap3A_541 = tpu.vector_load %arg7[%swap3A_539, %swap3A_540] {strides = array<i32>} : memref<512x80xf32, #tpu.memory_space<vmem>>, vector<1x16xf32>,
      %swap3A_542 = vector.shape_cast %swap3A_541 : vector<1x16xf32> to vector<16xf32>
      %swap3A_543 = vector.shape_cast %get3A_538 : vector<16xf32> to vector<1x16xf32>
      tpu.vector_store %arg7[%swap3A_539, %swap3A_540], %swap3A_543 {add = true, strides = array<i32>} : memref<512x80xf32, #tpu.memory_space<vmem>>, vector<1x16xf32>,
      %swap3A_544 = arith.index_cast %squeeze3A_503 : i32 to index
      %swap3A_545 = arith.constant 64 : index
      %swap3A_546 = tpu.vector_load %arg7[%swap3A_544, %swap3A_545] {strides = array<i32>} : memref<512x80xf32, #tpu.memory_space<vmem>>, vector<1x16xf32>,
      %swap3A_547 = vector.shape_cast %swap3A_546 : vector<1x16xf32> to vector<16xf32>
      %swap3A_548 = vector.shape_cast %broadcast_in_dim3A_21 : vector<16xf32> to vector<1x16xf32>
      tpu.vector_store %arg7[%swap3A_544, %swap3A_545], %swap3A_548 {add = true, strides = array<i32>} : memref<512x80xf32, #tpu.memory_space<vmem>>, vector<1x16xf32>,
      %slice3A_549 = vector.extract_strided_slice %get3A_34 {offsets = [11], sizes = [1], strides = [1]} : vector<16xi32> to vector<1xi32>
      %squeeze3A_550 = vector.extract %slice3A_549[0] : i32 from vector<1xi32>
      %mul3A_551 = arith.constant 16 : i32
      %mul3A_552 = arith.muli %scan3A_29, %mul3A_551 : i32
      %add3A_553 = arith.constant 11 : i32
      %add3A_554 = arith.addi %mul3A_552, %add3A_553 : i32
      %get3A_555 = arith.index_cast %add3A_554 : i32 to index
      %get3A_556 = arith.constant 0 : index
      %get3A_557 = tpu.vector_load %arg5[%get3A_555, %get3A_556] {strides = array<i32>} : memref<128x64xf32, #tpu.memory_space<vmem>>, vector<1x16xf32>,
      %get3A_558 = vector.shape_cast %get3A_557 : vector<1x16xf32> to vector<16xf32>
      %swap3A_559 = arith.index_cast %squeeze3A_550 : i32 to index
      %swap3A_560 = arith.constant 0 : index
      %swap3A_561 = tpu.vector_load %arg7[%swap3A_559, %swap3A_560] {strides = array<i32>} : memref<512x80xf32, #tpu.memory_space<vmem>>, vector<1x16xf32>,
      %swap3A_562 = vector.shape_cast %swap3A_561 : vector<1x16xf32> to vector<16xf32>
      %swap3A_563 = vector.shape_cast %get3A_558 : vector<16xf32> to vector<1x16xf32>
      tpu.vector_store %arg7[%swap3A_559, %swap3A_560], %swap3A_563 {add = true, strides = array<i32>} : memref<512x80xf32, #tpu.memory_space<vmem>>, vector<1x16xf32>,
      %get3A_564 = arith.index_cast %add3A_554 : i32 to index
      %get3A_565 = arith.constant 16 : index
      %get3A_566 = tpu.vector_load %arg5[%get3A_564, %get3A_565] {strides = array<i32>} : memref<128x64xf32, #tpu.memory_space<vmem>>, vector<1x16xf32>,
      %get3A_567 = vector.shape_cast %get3A_566 : vector<1x16xf32> to vector<16xf32>
      %swap3A_568 = arith.index_cast %squeeze3A_550 : i32 to index
      %swap3A_569 = arith.constant 16 : index
      %swap3A_570 = tpu.vector_load %arg7[%swap3A_568, %swap3A_569] {strides = array<i32>} : memref<512x80xf32, #tpu.memory_space<vmem>>, vector<1x16xf32>,
      %swap3A_571 = vector.shape_cast %swap3A_570 : vector<1x16xf32> to vector<16xf32>
      %swap3A_572 = vector.shape_cast %get3A_567 : vector<16xf32> to vector<1x16xf32>
      tpu.vector_store %arg7[%swap3A_568, %swap3A_569], %swap3A_572 {add = true, strides = array<i32>} : memref<512x80xf32, #tpu.memory_space<vmem>>, vector<1x16xf32>,
      %get3A_573 = arith.index_cast %add3A_554 : i32 to index
      %get3A_574 = arith.constant 32 : index
      %get3A_575 = tpu.vector_load %arg5[%get3A_573, %get3A_574] {strides = array<i32>} : memref<128x64xf32, #tpu.memory_space<vmem>>, vector<1x16xf32>,
      %get3A_576 = vector.shape_cast %get3A_575 : vector<1x16xf32> to vector<16xf32>
      %swap3A_577 = arith.index_cast %squeeze3A_550 : i32 to index
      %swap3A_578 = arith.constant 32 : index
      %swap3A_579 = tpu.vector_load %arg7[%swap3A_577, %swap3A_578] {strides = array<i32>} : memref<512x80xf32, #tpu.memory_space<vmem>>, vector<1x16xf32>,
      %swap3A_580 = vector.shape_cast %swap3A_579 : vector<1x16xf32> to vector<16xf32>
      %swap3A_581 = vector.shape_cast %get3A_576 : vector<16xf32> to vector<1x16xf32>
      tpu.vector_store %arg7[%swap3A_577, %swap3A_578], %swap3A_581 {add = true, strides = array<i32>} : memref<512x80xf32, #tpu.memory_space<vmem>>, vector<1x16xf32>,
      %get3A_582 = arith.index_cast %add3A_554 : i32 to index
      %get3A_583 = arith.constant 48 : index
      %get3A_584 = tpu.vector_load %arg5[%get3A_582, %get3A_583] {strides = array<i32>} : memref<128x64xf32, #tpu.memory_space<vmem>>, vector<1x16xf32>,
      %get3A_585 = vector.shape_cast %get3A_584 : vector<1x16xf32> to vector<16xf32>
      %swap3A_586 = arith.index_cast %squeeze3A_550 : i32 to index
      %swap3A_587 = arith.constant 48 : index
      %swap3A_588 = tpu.vector_load %arg7[%swap3A_586, %swap3A_587] {strides = array<i32>} : memref<512x80xf32, #tpu.memory_space<vmem>>, vector<1x16xf32>,
      %swap3A_589 = vector.shape_cast %swap3A_588 : vector<1x16xf32> to vector<16xf32>
      %swap3A_590 = vector.shape_cast %get3A_585 : vector<16xf32> to vector<1x16xf32>
      tpu.vector_store %arg7[%swap3A_586, %swap3A_587], %swap3A_590 {add = true, strides = array<i32>} : memref<512x80xf32, #tpu.memory_space<vmem>>, vector<1x16xf32>,
      %swap3A_591 = arith.index_cast %squeeze3A_550 : i32 to index
      %swap3A_592 = arith.constant 64 : index
      %swap3A_593 = tpu.vector_load %arg7[%swap3A_591, %swap3A_592] {strides = array<i32>} : memref<512x80xf32, #tpu.memory_space<vmem>>, vector<1x16xf32>,
      %swap3A_594 = vector.shape_cast %swap3A_593 : vector<1x16xf32> to vector<16xf32>
      %swap3A_595 = vector.shape_cast %broadcast_in_dim3A_21 : vector<16xf32> to vector<1x16xf32>
      tpu.vector_store %arg7[%swap3A_591, %swap3A_592], %swap3A_595 {add = true, strides = array<i32>} : memref<512x80xf32, #tpu.memory_space<vmem>>, vector<1x16xf32>,
      %slice3A_596 = vector.extract_strided_slice %get3A_34 {offsets = [12], sizes = [1], strides = [1]} : vector<16xi32> to vector<1xi32>
      %squeeze3A_597 = vector.extract %slice3A_596[0] : i32 from vector<1xi32>
      %mul3A_598 = arith.constant 16 : i32
      %mul3A_599 = arith.muli %scan3A_29, %mul3A_598 : i32
      %add3A_600 = arith.constant 12 : i32
      %add3A_601 = arith.addi %mul3A_599, %add3A_600 : i32
      %get3A_602 = arith.index_cast %add3A_601 : i32 to index
      %get3A_603 = arith.constant 0 : index
      %get3A_604 = tpu.vector_load %arg5[%get3A_602, %get3A_603] {strides = array<i32>} : memref<128x64xf32, #tpu.memory_space<vmem>>, vector<1x16xf32>,
      %get3A_605 = vector.shape_cast %get3A_604 : vector<1x16xf32> to vector<16xf32>
      %swap3A_606 = arith.index_cast %squeeze3A_597 : i32 to index
      %swap3A_607 = arith.constant 0 : index
      %swap3A_608 = tpu.vector_load %arg7[%swap3A_606, %swap3A_607] {strides = array<i32>} : memref<512x80xf32, #tpu.memory_space<vmem>>, vector<1x16xf32>,
      %swap3A_609 = vector.shape_cast %swap3A_608 : vector<1x16xf32> to vector<16xf32>
      %swap3A_610 = vector.shape_cast %get3A_605 : vector<16xf32> to vector<1x16xf32>
      tpu.vector_store %arg7[%swap3A_606, %swap3A_607], %swap3A_610 {add = true, strides = array<i32>} : memref<512x80xf32, #tpu.memory_space<vmem>>, vector<1x16xf32>,
      %get3A_611 = arith.index_cast %add3A_601 : i32 to index
      %get3A_612 = arith.constant 16 : index
      %get3A_613 = tpu.vector_load %arg5[%get3A_611, %get3A_612] {strides = array<i32>} : memref<128x64xf32, #tpu.memory_space<vmem>>, vector<1x16xf32>,
      %get3A_614 = vector.shape_cast %get3A_613 : vector<1x16xf32> to vector<16xf32>
      %swap3A_615 = arith.index_cast %squeeze3A_597 : i32 to index
      %swap3A_616 = arith.constant 16 : index
      %swap3A_617 = tpu.vector_load %arg7[%swap3A_615, %swap3A_616] {strides = array<i32>} : memref<512x80xf32, #tpu.memory_space<vmem>>, vector<1x16xf32>,
      %swap3A_618 = vector.shape_cast %swap3A_617 : vector<1x16xf32> to vector<16xf32>
      %swap3A_619 = vector.shape_cast %get3A_614 : vector<16xf32> to vector<1x16xf32>
      tpu.vector_store %arg7[%swap3A_615, %swap3A_616], %swap3A_619 {add = true, strides = array<i32>} : memref<512x80xf32, #tpu.memory_space<vmem>>, vector<1x16xf32>,
      %get3A_620 = arith.index_cast %add3A_601 : i32 to index
      %get3A_621 = arith.constant 32 : index
      %get3A_622 = tpu.vector_load %arg5[%get3A_620, %get3A_621] {strides = array<i32>} : memref<128x64xf32, #tpu.memory_space<vmem>>, vector<1x16xf32>,
      %get3A_623 = vector.shape_cast %get3A_622 : vector<1x16xf32> to vector<16xf32>
      %swap3A_624 = arith.index_cast %squeeze3A_597 : i32 to index
      %swap3A_625 = arith.constant 32 : index
      %swap3A_626 = tpu.vector_load %arg7[%swap3A_624, %swap3A_625] {strides = array<i32>} : memref<512x80xf32, #tpu.memory_space<vmem>>, vector<1x16xf32>,
      %swap3A_627 = vector.shape_cast %swap3A_626 : vector<1x16xf32> to vector<16xf32>
      %swap3A_628 = vector.shape_cast %get3A_623 : vector<16xf32> to vector<1x16xf32>
      tpu.vector_store %arg7[%swap3A_624, %swap3A_625], %swap3A_628 {add = true, strides = array<i32>} : memref<512x80xf32, #tpu.memory_space<vmem>>, vector<1x16xf32>,
      %get3A_629 = arith.index_cast %add3A_601 : i32 to index
      %get3A_630 = arith.constant 48 : index
      %get3A_631 = tpu.vector_load %arg5[%get3A_629, %get3A_630] {strides = array<i32>} : memref<128x64xf32, #tpu.memory_space<vmem>>, vector<1x16xf32>,
      %get3A_632 = vector.shape_cast %get3A_631 : vector<1x16xf32> to vector<16xf32>
      %swap3A_633 = arith.index_cast %squeeze3A_597 : i32 to index
      %swap3A_634 = arith.constant 48 : index
      %swap3A_635 = tpu.vector_load %arg7[%swap3A_633, %swap3A_634] {strides = array<i32>} : memref<512x80xf32, #tpu.memory_space<vmem>>, vector<1x16xf32>,
      %swap3A_636 = vector.shape_cast %swap3A_635 : vector<1x16xf32> to vector<16xf32>
      %swap3A_637 = vector.shape_cast %get3A_632 : vector<16xf32> to vector<1x16xf32>
      tpu.vector_store %arg7[%swap3A_633, %swap3A_634], %swap3A_637 {add = true, strides = array<i32>} : memref<512x80xf32, #tpu.memory_space<vmem>>, vector<1x16xf32>,
      %swap3A_638 = arith.index_cast %squeeze3A_597 : i32 to index
      %swap3A_639 = arith.constant 64 : index
      %swap3A_640 = tpu.vector_load %arg7[%swap3A_638, %swap3A_639] {strides = array<i32>} : memref<512x80xf32, #tpu.memory_space<vmem>>, vector<1x16xf32>,
      %swap3A_641 = vector.shape_cast %swap3A_640 : vector<1x16xf32> to vector<16xf32>
      %swap3A_642 = vector.shape_cast %broadcast_in_dim3A_21 : vector<16xf32> to vector<1x16xf32>
      tpu.vector_store %arg7[%swap3A_638, %swap3A_639], %swap3A_642 {add = true, strides = array<i32>} : memref<512x80xf32, #tpu.memory_space<vmem>>, vector<1x16xf32>,
      %slice3A_643 = vector.extract_strided_slice %get3A_34 {offsets = [13], sizes = [1], strides = [1]} : vector<16xi32> to vector<1xi32>
      %squeeze3A_644 = vector.extract %slice3A_643[0] : i32 from vector<1xi32>
      %mul3A_645 = arith.constant 16 : i32
      %mul3A_646 = arith.muli %scan3A_29, %mul3A_645 : i32
      %add3A_647 = arith.constant 13 : i32
      %add3A_648 = arith.addi %mul3A_646, %add3A_647 : i32
      %get3A_649 = arith.index_cast %add3A_648 : i32 to index
      %get3A_650 = arith.constant 0 : index
      %get3A_651 = tpu.vector_load %arg5[%get3A_649, %get3A_650] {strides = array<i32>} : memref<128x64xf32, #tpu.memory_space<vmem>>, vector<1x16xf32>,
      %get3A_652 = vector.shape_cast %get3A_651 : vector<1x16xf32> to vector<16xf32>
      %swap3A_653 = arith.index_cast %squeeze3A_644 : i32 to index
      %swap3A_654 = arith.constant 0 : index
      %swap3A_655 = tpu.vector_load %arg7[%swap3A_653, %swap3A_654] {strides = array<i32>} : memref<512x80xf32, #tpu.memory_space<vmem>>, vector<1x16xf32>,
      %swap3A_656 = vector.shape_cast %swap3A_655 : vector<1x16xf32> to vector<16xf32>
      %swap3A_657 = vector.shape_cast %get3A_652 : vector<16xf32> to vector<1x16xf32>
      tpu.vector_store %arg7[%swap3A_653, %swap3A_654], %swap3A_657 {add = true, strides = array<i32>} : memref<512x80xf32, #tpu.memory_space<vmem>>, vector<1x16xf32>,
      %get3A_658 = arith.index_cast %add3A_648 : i32 to index
      %get3A_659 = arith.constant 16 : index
      %get3A_660 = tpu.vector_load %arg5[%get3A_658, %get3A_659] {strides = array<i32>} : memref<128x64xf32, #tpu.memory_space<vmem>>, vector<1x16xf32>,
      %get3A_661 = vector.shape_cast %get3A_660 : vector<1x16xf32> to vector<16xf32>
      %swap3A_662 = arith.index_cast %squeeze3A_644 : i32 to index
      %swap3A_663 = arith.constant 16 : index
      %swap3A_664 = tpu.vector_load %arg7[%swap3A_662, %swap3A_663] {strides = array<i32>} : memref<512x80xf32, #tpu.memory_space<vmem>>, vector<1x16xf32>,
      %swap3A_665 = vector.shape_cast %swap3A_664 : vector<1x16xf32> to vector<16xf32>
      %swap3A_666 = vector.shape_cast %get3A_661 : vector<16xf32> to vector<1x16xf32>
      tpu.vector_store %arg7[%swap3A_662, %swap3A_663], %swap3A_666 {add = true, strides = array<i32>} : memref<512x80xf32, #tpu.memory_space<vmem>>, vector<1x16xf32>,
      %get3A_667 = arith.index_cast %add3A_648 : i32 to index
      %get3A_668 = arith.constant 32 : index
      %get3A_669 = tpu.vector_load %arg5[%get3A_667, %get3A_668] {strides = array<i32>} : memref<128x64xf32, #tpu.memory_space<vmem>>, vector<1x16xf32>,
      %get3A_670 = vector.shape_cast %get3A_669 : vector<1x16xf32> to vector<16xf32>
      %swap3A_671 = arith.index_cast %squeeze3A_644 : i32 to index
      %swap3A_672 = arith.constant 32 : index
      %swap3A_673 = tpu.vector_load %arg7[%swap3A_671, %swap3A_672] {strides = array<i32>} : memref<512x80xf32, #tpu.memory_space<vmem>>, vector<1x16xf32>,
      %swap3A_674 = vector.shape_cast %swap3A_673 : vector<1x16xf32> to vector<16xf32>
      %swap3A_675 = vector.shape_cast %get3A_670 : vector<16xf32> to vector<1x16xf32>
      tpu.vector_store %arg7[%swap3A_671, %swap3A_672], %swap3A_675 {add = true, strides = array<i32>} : memref<512x80xf32, #tpu.memory_space<vmem>>, vector<1x16xf32>,
      %get3A_676 = arith.index_cast %add3A_648 : i32 to index
      %get3A_677 = arith.constant 48 : index
      %get3A_678 = tpu.vector_load %arg5[%get3A_676, %get3A_677] {strides = array<i32>} : memref<128x64xf32, #tpu.memory_space<vmem>>, vector<1x16xf32>,
      %get3A_679 = vector.shape_cast %get3A_678 : vector<1x16xf32> to vector<16xf32>
      %swap3A_680 = arith.index_cast %squeeze3A_644 : i32 to index
      %swap3A_681 = arith.constant 48 : index
      %swap3A_682 = tpu.vector_load %arg7[%swap3A_680, %swap3A_681] {strides = array<i32>} : memref<512x80xf32, #tpu.memory_space<vmem>>, vector<1x16xf32>,
      %swap3A_683 = vector.shape_cast %swap3A_682 : vector<1x16xf32> to vector<16xf32>
      %swap3A_684 = vector.shape_cast %get3A_679 : vector<16xf32> to vector<1x16xf32>
      tpu.vector_store %arg7[%swap3A_680, %swap3A_681], %swap3A_684 {add = true, strides = array<i32>} : memref<512x80xf32, #tpu.memory_space<vmem>>, vector<1x16xf32>,
      %swap3A_685 = arith.index_cast %squeeze3A_644 : i32 to index
      %swap3A_686 = arith.constant 64 : index
      %swap3A_687 = tpu.vector_load %arg7[%swap3A_685, %swap3A_686] {strides = array<i32>} : memref<512x80xf32, #tpu.memory_space<vmem>>, vector<1x16xf32>,
      %swap3A_688 = vector.shape_cast %swap3A_687 : vector<1x16xf32> to vector<16xf32>
      %swap3A_689 = vector.shape_cast %broadcast_in_dim3A_21 : vector<16xf32> to vector<1x16xf32>
      tpu.vector_store %arg7[%swap3A_685, %swap3A_686], %swap3A_689 {add = true, strides = array<i32>} : memref<512x80xf32, #tpu.memory_space<vmem>>, vector<1x16xf32>,
      %slice3A_690 = vector.extract_strided_slice %get3A_34 {offsets = [14], sizes = [1], strides = [1]} : vector<16xi32> to vector<1xi32>
      %squeeze3A_691 = vector.extract %slice3A_690[0] : i32 from vector<1xi32>
      %mul3A_692 = arith.constant 16 : i32
      %mul3A_693 = arith.muli %scan3A_29, %mul3A_692 : i32
      %add3A_694 = arith.constant 14 : i32
      %add3A_695 = arith.addi %mul3A_693, %add3A_694 : i32
      %get3A_696 = arith.index_cast %add3A_695 : i32 to index
      %get3A_697 = arith.constant 0 : index
      %get3A_698 = tpu.vector_load %arg5[%get3A_696, %get3A_697] {strides = array<i32>} : memref<128x64xf32, #tpu.memory_space<vmem>>, vector<1x16xf32>,
      %get3A_699 = vector.shape_cast %get3A_698 : vector<1x16xf32> to vector<16xf32>
      %swap3A_700 = arith.index_cast %squeeze3A_691 : i32 to index
      %swap3A_701 = arith.constant 0 : index
      %swap3A_702 = tpu.vector_load %arg7[%swap3A_700, %swap3A_701] {strides = array<i32>} : memref<512x80xf32, #tpu.memory_space<vmem>>, vector<1x16xf32>,
      %swap3A_703 = vector.shape_cast %swap3A_702 : vector<1x16xf32> to vector<16xf32>
      %swap3A_704 = vector.shape_cast %get3A_699 : vector<16xf32> to vector<1x16xf32>
      tpu.vector_store %arg7[%swap3A_700, %swap3A_701], %swap3A_704 {add = true, strides = array<i32>} : memref<512x80xf32, #tpu.memory_space<vmem>>, vector<1x16xf32>,
      %get3A_705 = arith.index_cast %add3A_695 : i32 to index
      %get3A_706 = arith.constant 16 : index
      %get3A_707 = tpu.vector_load %arg5[%get3A_705, %get3A_706] {strides = array<i32>} : memref<128x64xf32, #tpu.memory_space<vmem>>, vector<1x16xf32>,
      %get3A_708 = vector.shape_cast %get3A_707 : vector<1x16xf32> to vector<16xf32>
      %swap3A_709 = arith.index_cast %squeeze3A_691 : i32 to index
      %swap3A_710 = arith.constant 16 : index
      %swap3A_711 = tpu.vector_load %arg7[%swap3A_709, %swap3A_710] {strides = array<i32>} : memref<512x80xf32, #tpu.memory_space<vmem>>, vector<1x16xf32>,
      %swap3A_712 = vector.shape_cast %swap3A_711 : vector<1x16xf32> to vector<16xf32>
      %swap3A_713 = vector.shape_cast %get3A_708 : vector<16xf32> to vector<1x16xf32>
      tpu.vector_store %arg7[%swap3A_709, %swap3A_710], %swap3A_713 {add = true, strides = array<i32>} : memref<512x80xf32, #tpu.memory_space<vmem>>, vector<1x16xf32>,
      %get3A_714 = arith.index_cast %add3A_695 : i32 to index
      %get3A_715 = arith.constant 32 : index
      %get3A_716 = tpu.vector_load %arg5[%get3A_714, %get3A_715] {strides = array<i32>} : memref<128x64xf32, #tpu.memory_space<vmem>>, vector<1x16xf32>,
      %get3A_717 = vector.shape_cast %get3A_716 : vector<1x16xf32> to vector<16xf32>
      %swap3A_718 = arith.index_cast %squeeze3A_691 : i32 to index
      %swap3A_719 = arith.constant 32 : index
      %swap3A_720 = tpu.vector_load %arg7[%swap3A_718, %swap3A_719] {strides = array<i32>} : memref<512x80xf32, #tpu.memory_space<vmem>>, vector<1x16xf32>,
      %swap3A_721 = vector.shape_cast %swap3A_720 : vector<1x16xf32> to vector<16xf32>
      %swap3A_722 = vector.shape_cast %get3A_717 : vector<16xf32> to vector<1x16xf32>
      tpu.vector_store %arg7[%swap3A_718, %swap3A_719], %swap3A_722 {add = true, strides = array<i32>} : memref<512x80xf32, #tpu.memory_space<vmem>>, vector<1x16xf32>,
      %get3A_723 = arith.index_cast %add3A_695 : i32 to index
      %get3A_724 = arith.constant 48 : index
      %get3A_725 = tpu.vector_load %arg5[%get3A_723, %get3A_724] {strides = array<i32>} : memref<128x64xf32, #tpu.memory_space<vmem>>, vector<1x16xf32>,
      %get3A_726 = vector.shape_cast %get3A_725 : vector<1x16xf32> to vector<16xf32>
      %swap3A_727 = arith.index_cast %squeeze3A_691 : i32 to index
      %swap3A_728 = arith.constant 48 : index
      %swap3A_729 = tpu.vector_load %arg7[%swap3A_727, %swap3A_728] {strides = array<i32>} : memref<512x80xf32, #tpu.memory_space<vmem>>, vector<1x16xf32>,
      %swap3A_730 = vector.shape_cast %swap3A_729 : vector<1x16xf32> to vector<16xf32>
      %swap3A_731 = vector.shape_cast %get3A_726 : vector<16xf32> to vector<1x16xf32>
      tpu.vector_store %arg7[%swap3A_727, %swap3A_728], %swap3A_731 {add = true, strides = array<i32>} : memref<512x80xf32, #tpu.memory_space<vmem>>, vector<1x16xf32>,
      %swap3A_732 = arith.index_cast %squeeze3A_691 : i32 to index
      %swap3A_733 = arith.constant 64 : index
      %swap3A_734 = tpu.vector_load %arg7[%swap3A_732, %swap3A_733] {strides = array<i32>} : memref<512x80xf32, #tpu.memory_space<vmem>>, vector<1x16xf32>,
      %swap3A_735 = vector.shape_cast %swap3A_734 : vector<1x16xf32> to vector<16xf32>
      %swap3A_736 = vector.shape_cast %broadcast_in_dim3A_21 : vector<16xf32> to vector<1x16xf32>
      tpu.vector_store %arg7[%swap3A_732, %swap3A_733], %swap3A_736 {add = true, strides = array<i32>} : memref<512x80xf32, #tpu.memory_space<vmem>>, vector<1x16xf32>,
      %slice3A_737 = vector.extract_strided_slice %get3A_34 {offsets = [15], sizes = [1], strides = [1]} : vector<16xi32> to vector<1xi32>
      %squeeze3A_738 = vector.extract %slice3A_737[0] : i32 from vector<1xi32>
      %mul3A_739 = arith.constant 16 : i32
      %mul3A_740 = arith.muli %scan3A_29, %mul3A_739 : i32
      %add3A_741 = arith.constant 15 : i32
      %add3A_742 = arith.addi %mul3A_740, %add3A_741 : i32
      %get3A_743 = arith.index_cast %add3A_742 : i32 to index
      %get3A_744 = arith.constant 0 : index
      %get3A_745 = tpu.vector_load %arg5[%get3A_743, %get3A_744] {strides = array<i32>} : memref<128x64xf32, #tpu.memory_space<vmem>>, vector<1x16xf32>,
      %get3A_746 = vector.shape_cast %get3A_745 : vector<1x16xf32> to vector<16xf32>
      %swap3A_747 = arith.index_cast %squeeze3A_738 : i32 to index
      %swap3A_748 = arith.constant 0 : index
      %swap3A_749 = tpu.vector_load %arg7[%swap3A_747, %swap3A_748] {strides = array<i32>} : memref<512x80xf32, #tpu.memory_space<vmem>>, vector<1x16xf32>,
      %swap3A_750 = vector.shape_cast %swap3A_749 : vector<1x16xf32> to vector<16xf32>
      %swap3A_751 = vector.shape_cast %get3A_746 : vector<16xf32> to vector<1x16xf32>
      tpu.vector_store %arg7[%swap3A_747, %swap3A_748], %swap3A_751 {add = true, strides = array<i32>} : memref<512x80xf32, #tpu.memory_space<vmem>>, vector<1x16xf32>,
      %get3A_752 = arith.index_cast %add3A_742 : i32 to index
      %get3A_753 = arith.constant 16 : index
      %get3A_754 = tpu.vector_load %arg5[%get3A_752, %get3A_753] {strides = array<i32>} : memref<128x64xf32, #tpu.memory_space<vmem>>, vector<1x16xf32>,
      %get3A_755 = vector.shape_cast %get3A_754 : vector<1x16xf32> to vector<16xf32>
      %swap3A_756 = arith.index_cast %squeeze3A_738 : i32 to index
      %swap3A_757 = arith.constant 16 : index
      %swap3A_758 = tpu.vector_load %arg7[%swap3A_756, %swap3A_757] {strides = array<i32>} : memref<512x80xf32, #tpu.memory_space<vmem>>, vector<1x16xf32>,
      %swap3A_759 = vector.shape_cast %swap3A_758 : vector<1x16xf32> to vector<16xf32>
      %swap3A_760 = vector.shape_cast %get3A_755 : vector<16xf32> to vector<1x16xf32>
      tpu.vector_store %arg7[%swap3A_756, %swap3A_757], %swap3A_760 {add = true, strides = array<i32>} : memref<512x80xf32, #tpu.memory_space<vmem>>, vector<1x16xf32>,
      %get3A_761 = arith.index_cast %add3A_742 : i32 to index
      %get3A_762 = arith.constant 32 : index
      %get3A_763 = tpu.vector_load %arg5[%get3A_761, %get3A_762] {strides = array<i32>} : memref<128x64xf32, #tpu.memory_space<vmem>>, vector<1x16xf32>,
      %get3A_764 = vector.shape_cast %get3A_763 : vector<1x16xf32> to vector<16xf32>
      %swap3A_765 = arith.index_cast %squeeze3A_738 : i32 to index
      %swap3A_766 = arith.constant 32 : index
      %swap3A_767 = tpu.vector_load %arg7[%swap3A_765, %swap3A_766] {strides = array<i32>} : memref<512x80xf32, #tpu.memory_space<vmem>>, vector<1x16xf32>,
      %swap3A_768 = vector.shape_cast %swap3A_767 : vector<1x16xf32> to vector<16xf32>
      %swap3A_769 = vector.shape_cast %get3A_764 : vector<16xf32> to vector<1x16xf32>
      tpu.vector_store %arg7[%swap3A_765, %swap3A_766], %swap3A_769 {add = true, strides = array<i32>} : memref<512x80xf32, #tpu.memory_space<vmem>>, vector<1x16xf32>,
      %get3A_770 = arith.index_cast %add3A_742 : i32 to index
      %get3A_771 = arith.constant 48 : index
      %get3A_772 = tpu.vector_load %arg5[%get3A_770, %get3A_771] {strides = array<i32>} : memref<128x64xf32, #tpu.memory_space<vmem>>, vector<1x16xf32>,
      %get3A_773 = vector.shape_cast %get3A_772 : vector<1x16xf32> to vector<16xf32>
      %swap3A_774 = arith.index_cast %squeeze3A_738 : i32 to index
      %swap3A_775 = arith.constant 48 : index
      %swap3A_776 = tpu.vector_load %arg7[%swap3A_774, %swap3A_775] {strides = array<i32>} : memref<512x80xf32, #tpu.memory_space<vmem>>, vector<1x16xf32>,
      %swap3A_777 = vector.shape_cast %swap3A_776 : vector<1x16xf32> to vector<16xf32>
      %swap3A_778 = vector.shape_cast %get3A_773 : vector<16xf32> to vector<1x16xf32>
      tpu.vector_store %arg7[%swap3A_774, %swap3A_775], %swap3A_778 {add = true, strides = array<i32>} : memref<512x80xf32, #tpu.memory_space<vmem>>, vector<1x16xf32>,
      %swap3A_779 = arith.index_cast %squeeze3A_738 : i32 to index
      %swap3A_780 = arith.constant 64 : index
      %swap3A_781 = tpu.vector_load %arg7[%swap3A_779, %swap3A_780] {strides = array<i32>} : memref<512x80xf32, #tpu.memory_space<vmem>>, vector<1x16xf32>,
      %swap3A_782 = vector.shape_cast %swap3A_781 : vector<1x16xf32> to vector<16xf32>
      %swap3A_783 = vector.shape_cast %broadcast_in_dim3A_21 : vector<16xf32> to vector<1x16xf32>
      tpu.vector_store %arg7[%swap3A_779, %swap3A_780], %swap3A_783 {add = true, strides = array<i32>} : memref<512x80xf32, #tpu.memory_space<vmem>>, vector<1x16xf32>,
      %scan3A_784 = arith.constant 0 : i32
      scf.yield %scan3A_784 : i32
    }
    %scan3A_28 = arith.constant 8 : i32
    "tpu.region"() ({
      %run_scoped3A = tpu.sem_alloc : memref<!tpu.dma_semaphore, #tpu.memory_space<semaphore_mem>>
      %dma_start3A_29 = arith.constant 0 : i32
      %dma_start3A_30 = arith.constant 0 : i32
      %dma_start3A_31 = tpu.memref_slice %arg4[%add3A, %dma_start3A_29, %dma_start3A_30] : memref<32x512x80xf32, #tpu.memory_space<hbm>> -> memref<1x512x80xf32, #tpu.memory_space<hbm>>
      %dma_start3A_32 = tpu.memref_squeeze %dma_start3A_31 : memref<1x512x80xf32, #tpu.memory_space<hbm>> -> memref<512x80xf32, #tpu.memory_space<hbm>>
      %dma_start3A_33 = arith.constant 0 : i32
      %dma_start3A_34 = arith.constant 0 : i32
      %dma_start3A_35 = tpu.memref_slice %arg4[%add3A, %dma_start3A_33, %dma_start3A_34] : memref<32x512x80xf32, #tpu.memory_space<hbm>> -> memref<1x512x80xf32, #tpu.memory_space<hbm>>
      %dma_start3A_36 = tpu.memref_squeeze %dma_start3A_35 : memref<1x512x80xf32, #tpu.memory_space<hbm>> -> memref<512x80xf32, #tpu.memory_space<hbm>>
      tpu.enqueue_dma source(%arg7 : memref<512x80xf32, #tpu.memory_space<vmem>>) target(%dma_start3A_36 : memref<512x80xf32, #tpu.memory_space<hbm>>) target_semaphore(%run_scoped3A : memref<!tpu.dma_semaphore, #tpu.memory_space<semaphore_mem>>)
      %dma_wait3A_37 = arith.constant 0 : i32
      %dma_wait3A_38 = arith.constant 0 : i32
      %dma_wait3A_39 = tpu.memref_slice %arg4[%add3A, %dma_wait3A_37, %dma_wait3A_38] : memref<32x512x80xf32, #tpu.memory_space<hbm>> -> memref<1x512x80xf32, #tpu.memory_space<hbm>>
      %dma_wait3A_40 = tpu.memref_squeeze %dma_wait3A_39 : memref<1x512x80xf32, #tpu.memory_space<hbm>> -> memref<512x80xf32, #tpu.memory_space<hbm>>
      %dma_wait3A_41 = arith.constant 0 : i32
      %dma_wait3A_42 = arith.constant 0 : i32
      %dma_wait3A_43 = tpu.memref_slice %arg4[%add3A, %dma_wait3A_41, %dma_wait3A_42] : memref<32x512x80xf32, #tpu.memory_space<hbm>> -> memref<1x512x80xf32, #tpu.memory_space<hbm>>
      %dma_wait3A_44 = tpu.memref_squeeze %dma_wait3A_43 : memref<1x512x80xf32, #tpu.memory_space<hbm>> -> memref<512x80xf32, #tpu.memory_space<hbm>>
      tpu.wait_dma2 semaphore(%run_scoped3A : memref<!tpu.dma_semaphore, #tpu.memory_space<semaphore_mem>>) src(%arg7 : memref<512x80xf32, #tpu.memory_space<vmem>>) dst(%dma_wait3A_44 : memref<512x80xf32, #tpu.memory_space<hbm>>)
      tpu.yield
    }) : () -> ()
    return
  }
}

module attributes {stable_mosaic.version = 14 : i64} {
  func.func @_norm_body(%arg0: memref<4096x64xf32, #tpu.memory_space<vmem>>, %arg1: memref<4096x64xf32, #tpu.memory_space<vmem>>, %arg2: memref<1x1xf32, #tpu.memory_space<vmem>>) attributes {dimension_semantics = [], scalar_prefetch = 0 : i64, scratch_operands = 0 : i64, tpu.core_type = #tpu.core_type<tc>} {
    %get3A = arith.constant 0 : index
    %get3A_0 = arith.constant 0 : index
    %get3A_1 = vector.load %arg0[%get3A, %get3A_0] : memref<4096x64xf32, #tpu.memory_space<vmem>>, vector<4096x64xf32>
    %mul3A = arith.mulf %get3A_1, %get3A_1 : vector<4096x64xf32>
    %iota3A = tpu.iota {dimensions = array<i32: 0>} : vector<64x16xi32>
    %iota3A_2 = tpu.iota {dimensions = array<i32: 1>} : vector<64x16xi32>
    %jit3A = arith.constant 4 : i32
    %div3A = vector.broadcast %jit3A : i32 to vector<64x16xi32>
    %div3A_3 = arith.divsi %iota3A, %div3A : vector<64x16xi32>
    %sign3A = arith.constant 0 : i32
    %sign3A_4 = vector.broadcast %sign3A : i32 to vector<64x16xi32>
    %sign3A_5 = arith.cmpi sgt, %iota3A, %sign3A_4 : vector<64x16xi32>
    %sign3A_6 = arith.extui %sign3A_5 : vector<64x16xi1> to vector<64x16xi32>
    %sign3A_7 = arith.constant 0 : i32
    %sign3A_8 = vector.broadcast %sign3A_7 : i32 to vector<64x16xi32>
    %sign3A_9 = arith.cmpi slt, %iota3A, %sign3A_8 : vector<64x16xi32>
    %sign3A_10 = arith.extui %sign3A_9 : vector<64x16xi1> to vector<64x16xi32>
    %sign3A_11 = arith.subi %sign3A_6, %sign3A_10 : vector<64x16xi32>
    %sign3A_12 = arith.constant 0 : i32
    %sign3A_13 = arith.cmpi sgt, %jit3A, %sign3A_12 : i32
    %sign3A_14 = arith.extui %sign3A_13 : i1 to i32
    %sign3A_15 = arith.constant 0 : i32
    %sign3A_16 = arith.cmpi slt, %jit3A, %sign3A_15 : i32
    %sign3A_17 = arith.extui %sign3A_16 : i1 to i32
    %sign3A_18 = arith.subi %sign3A_14, %sign3A_17 : i32
    %ne3A = vector.broadcast %sign3A_18 : i32 to vector<64x16xi32>
    %ne3A_19 = arith.cmpi ne, %sign3A_11, %ne3A : vector<64x16xi32>
    %rem3A = vector.broadcast %jit3A : i32 to vector<64x16xi32>
    %rem3A_20 = arith.remsi %iota3A, %rem3A : vector<64x16xi32>
    %ne3A_21 = arith.constant 0 : i32
    %ne3A_22 = vector.broadcast %ne3A_21 : i32 to vector<64x16xi32>
    %ne3A_23 = arith.cmpi ne, %rem3A_20, %ne3A_22 : vector<64x16xi32>
    %and3A = arith.andi %ne3A_19, %ne3A_23 : vector<64x16xi1>
    %sub3A = arith.constant 1 : i32
    %sub3A_24 = vector.broadcast %sub3A : i32 to vector<64x16xi32>
    %sub3A_25 = arith.subi %div3A_3, %sub3A_24 : vector<64x16xi32>
    %select_n3A = arith.select %and3A, %sub3A_25, %div3A_3 : vector<64x16xi1>, vector<64x16xi32>
    %eq3A = arith.cmpi eq, %select_n3A, %iota3A_2 : vector<64x16xi32>
    %convert_element_type3A = arith.extui %eq3A : vector<64x16xi1> to vector<64x16xi32>
    %convert_element_type3A_26 = arith.sitofp %convert_element_type3A : vector<64x16xi32> to vector<64x16xf32>
    %dot_general3A = arith.constant dense<0.000000e+00> : vector<4096x16xf32>
    %dot_general3A_27 = tpu.matmul %mul3A, %convert_element_type3A_26, %dot_general3A {dimension_numbers = #tpu.dot_dimension_numbers<[1], [0], [0], [1], [0, 0, 1, 1], [], []>, precision = #tpu.contract_precision<fp32>, transpose_lhs_hint = false} : vector<4096x64xf32>, vector<64x16xf32>, vector<4096x16xf32> -> vector<4096x16xf32>
    %sqrt3A = math.sqrt %dot_general3A_27 : vector<4096x16xf32>
    %max3A = arith.constant 9.99999996E-13 : f32
    %max3A_28 = vector.broadcast %max3A : f32 to vector<4096x16xf32>
    %max3A_29 = arith.maximumf %sqrt3A, %max3A_28 : vector<4096x16xf32>
    %transpose3A = tpu.transpose %convert_element_type3A_26, [1, 0] : vector<64x16xf32> -> vector<16x64xf32>
    %dot_general3A_30 = arith.constant dense<0.000000e+00> : vector<4096x64xf32>
    %dot_general3A_31 = tpu.matmul %max3A_29, %transpose3A, %dot_general3A_30 {dimension_numbers = #tpu.dot_dimension_numbers<[1], [0], [0], [1], [0, 0, 1, 1], [], []>, precision = #tpu.contract_precision<fp32>, transpose_lhs_hint = false} : vector<4096x16xf32>, vector<16x64xf32>, vector<4096x64xf32> -> vector<4096x64xf32>
    %div3A_32 = arith.divf %get3A_1, %dot_general3A_31 : vector<4096x64xf32>
    %swap3A = arith.constant 0 : index
    %swap3A_33 = arith.constant 0 : index
    %swap3A_34 = vector.load %arg1[%swap3A, %swap3A_33] : memref<4096x64xf32, #tpu.memory_space<vmem>>, vector<4096x64xf32>
    tpu.vector_store %arg1[%swap3A, %swap3A_33], %div3A_32 {strides = array<i32>} : memref<4096x64xf32, #tpu.memory_space<vmem>>, vector<4096x64xf32>,
    %mul3A_35 = arith.mulf %div3A_32, %div3A_32 : vector<4096x64xf32>
    %reduce_sum3A = vector.shape_cast %mul3A_35 : vector<4096x64xf32> to vector<1x4096x64xf32>
    %reduce_sum3A_36 = arith.constant dense<0.000000e+00> : vector<1xf32>
    %reduce_sum3A_37 = vector.multi_reduction <add>, %reduce_sum3A, %reduce_sum3A_36 [1, 2] : vector<1x4096x64xf32> to vector<1xf32>
    %reduce_sum3A_38 = vector.shape_cast %reduce_sum3A_37 : vector<1xf32> to vector<1x1x1xf32>
    %reduce_sum3A_39 = vector.extract %reduce_sum3A_38[0, 0, 0] : f32 from vector<1x1x1xf32>
    %reshape3A = vector.broadcast %reduce_sum3A_39 : f32 to vector<1x1xf32>
    %swap3A_40 = arith.constant 0 : index
    %swap3A_41 = arith.constant 0 : index
    %swap3A_42 = vector.load %arg2[%swap3A_40, %swap3A_41] : memref<1x1xf32, #tpu.memory_space<vmem>>, vector<1x1xf32>
    tpu.vector_store %arg2[%swap3A_40, %swap3A_41], %reshape3A {strides = array<i32>} : memref<1x1xf32, #tpu.memory_space<vmem>>, vector<1x1xf32>,
    return
  }
}

module attributes {stable_mosaic.version = 14 : i64} {
  func.func @_finish_body(%arg0: memref<32x512x80xf32, #tpu.memory_space<vmem>>, %arg1: memref<1x1xf32, #tpu.memory_space<vmem>>, %arg2: memref<1x1xf32, #tpu.memory_space<vmem>>) attributes {dimension_semantics = [], scalar_prefetch = 0 : i64, scratch_operands = 0 : i64, tpu.core_type = #tpu.core_type<tc>} {
    %get3A = arith.constant 0 : index
    %get3A_0 = arith.constant 0 : index
    %get3A_1 = arith.constant 0 : index
    %get3A_2 = vector.load %arg0[%get3A, %get3A_0, %get3A_1] : memref<32x512x80xf32, #tpu.memory_space<vmem>>, vector<32x512x80xf32>
    %reduce_sum3A = arith.constant dense<0.000000e+00> : vector<512x80xf32>
    %reduce_sum3A_3 = vector.multi_reduction <add>, %get3A_2, %reduce_sum3A [0] : vector<32x512x80xf32> to vector<512x80xf32>
    %slice3A = vector.extract_strided_slice %reduce_sum3A_3 {offsets = [0, 0], sizes = [512, 64], strides = [1, 1]} : vector<512x80xf32> to vector<512x64xf32>
    %slice3A_4 = vector.extract_strided_slice %reduce_sum3A_3 {offsets = [0, 64], sizes = [512, 16], strides = [1, 1]} : vector<512x80xf32> to vector<512x16xf32>
    %mul3A = arith.mulf %slice3A, %slice3A : vector<512x64xf32>
    %reduce_sum3A_5 = arith.constant dense<0.000000e+00> : vector<512xf32>
    %reduce_sum3A_6 = vector.multi_reduction <add>, %mul3A, %reduce_sum3A_5 [1] : vector<512x64xf32> to vector<512xf32>
    %broadcast_in_dim3A = vector.shape_cast %reduce_sum3A_6 : vector<512xf32> to vector<512x1xf32>
    %slice3A_7 = vector.extract_strided_slice %slice3A_4 {offsets = [0, 0], sizes = [512, 1], strides = [1, 1]} : vector<512x16xf32> to vector<512x1xf32>
    %mul3A_8 = arith.constant 1.600000e+01 : f32
    %mul3A_9 = vector.broadcast %mul3A_8 : f32 to vector<512x1xf32>
    %mul3A_10 = arith.mulf %mul3A_9, %slice3A_7 : vector<512x1xf32>
    %sub3A = arith.subf %broadcast_in_dim3A, %mul3A_10 : vector<512x1xf32>
    %reduce_sum3A_11 = vector.shape_cast %sub3A : vector<512x1xf32> to vector<1x512x1xf32>
    %reduce_sum3A_12 = arith.constant dense<0.000000e+00> : vector<1xf32>
    %reduce_sum3A_13 = vector.multi_reduction <add>, %reduce_sum3A_11, %reduce_sum3A_12 [1, 2] : vector<1x512x1xf32> to vector<1xf32>
    %reduce_sum3A_14 = vector.shape_cast %reduce_sum3A_13 : vector<1xf32> to vector<1x1x1xf32>
    %reduce_sum3A_15 = vector.extract %reduce_sum3A_14[0, 0, 0] : f32 from vector<1x1x1xf32>
    %mul3A_16 = arith.mulf %slice3A_4, %slice3A_4 : vector<512x16xf32>
    %sub3A_17 = arith.subf %mul3A_16, %slice3A_4 : vector<512x16xf32>
    %reduce_sum3A_18 = vector.shape_cast %sub3A_17 : vector<512x16xf32> to vector<1x512x16xf32>
    %reduce_sum3A_19 = arith.constant dense<0.000000e+00> : vector<1xf32>
    %reduce_sum3A_20 = vector.multi_reduction <add>, %reduce_sum3A_18, %reduce_sum3A_19 [1, 2] : vector<1x512x16xf32> to vector<1xf32>
    %reduce_sum3A_21 = vector.shape_cast %reduce_sum3A_20 : vector<1xf32> to vector<1x1x1xf32>
    %reduce_sum3A_22 = vector.extract %reduce_sum3A_21[0, 0, 0] : f32 from vector<1x1x1xf32>
    %div3A = arith.constant 3.200000e+01 : f32
    %div3A_23 = arith.divf %reduce_sum3A_22, %div3A : f32
    %get3A_24 = arith.constant 0 : index
    %get3A_25 = arith.constant 0 : index
    %get3A_26 = vector.load %arg1[%get3A_24, %get3A_25] : memref<1x1xf32, #tpu.memory_space<vmem>>, vector<1x1xf32>
    %reduce_sum3A_27 = vector.shape_cast %get3A_26 : vector<1x1xf32> to vector<1x1x1xf32>
    %reduce_sum3A_28 = arith.constant dense<0.000000e+00> : vector<1xf32>
    %reduce_sum3A_29 = vector.multi_reduction <add>, %reduce_sum3A_27, %reduce_sum3A_28 [1, 2] : vector<1x1x1xf32> to vector<1xf32>
    %reduce_sum3A_30 = vector.shape_cast %reduce_sum3A_29 : vector<1xf32> to vector<1x1x1xf32>
    %reduce_sum3A_31 = vector.extract %reduce_sum3A_30[0, 0, 0] : f32 from vector<1x1x1xf32>
    %sub3A_32 = arith.constant 6.553600e+04 : f32
    %sub3A_33 = arith.subf %sub3A_32, %reduce_sum3A_31 : f32
    %add3A = arith.addf %reduce_sum3A_15, %sub3A_33 : f32
    %div3A_34 = arith.constant 3.200000e+01 : f32
    %div3A_35 = arith.divf %add3A, %div3A_34 : f32
    %gt3A = arith.constant 5.000000e-01 : f32
    %gt3A_36 = arith.cmpf ogt, %div3A_23, %gt3A : f32
    %div3A_37 = arith.divf %div3A_35, %div3A_23 : f32
    %jit3A = arith.constant 0.000000e+00 : f32
    %select_n3A = arith.select %gt3A_36, %div3A_37, %jit3A : f32
    %reshape3A = vector.broadcast %select_n3A : f32 to vector<1x1xf32>
    %swap3A = arith.constant 0 : index
    %swap3A_38 = arith.constant 0 : index
    %swap3A_39 = vector.load %arg2[%swap3A, %swap3A_38] : memref<1x1xf32, #tpu.memory_space<vmem>>, vector<1x1xf32>
    tpu.vector_store %arg2[%swap3A, %swap3A_38], %reshape3A {strides = array<i32>} : memref<1x1xf32, #tpu.memory_space<vmem>>, vector<1x1xf32>,
    return
  }
}

module attributes {stable_mosaic.version = 14 : i64} {
  func.func @_einsum_body(%arg0: i32, %arg1: memref<256x64xf32, #tpu.memory_space<vmem>>, %arg2: memref<4096x64xf32, #tpu.memory_space<vmem>>, %arg3: memref<256x1xi32, #tpu.memory_space<vmem>>, %arg4: memref<1x1x4096xi32, #tpu.memory_space<vmem>>, %arg5: memref<1x1xf32, #tpu.memory_space<vmem>>, %arg6: memref<1x1xf32, #tpu.memory_space<smem>>, %arg7: memref<1x1xf32, #tpu.memory_space<smem>>) attributes {dimension_semantics = [#tpu.dimension_semantics<arbitrary>], iteration_bounds = array<i64: 16>, scalar_prefetch = 0 : i64, scratch_operands = 2 : i64, tpu.core_type = #tpu.core_type<tc>, window_params = [{transform_indices = @transform_0, window_bounds = array<i64: 256, 64>}, {pipeline_mode = #tpu.pipeline_mode<synchronous>, transform_indices = @transform_1, window_bounds = array<i64: 4096, 64>}, {transform_indices = @transform_2, window_bounds = array<i64: 256, 1>}, {pipeline_mode = #tpu.pipeline_mode<synchronous>, transform_indices = @transform_3, window_bounds = array<i64: 1, 1, 4096>}, {pipeline_mode = #tpu.pipeline_mode<synchronous>, transform_indices = @transform_4, window_bounds = array<i64: 1, 1>}]} {
    %eq3A = arith.constant 0 : i32
    %eq3A_0 = arith.cmpi eq, %arg0, %eq3A : i32
    %convert_element_type3A = arith.extui %eq3A_0 : i1 to i32
    %cond3A = arith.constant 0 : i32
    %cond3A_1 = arith.cmpi ne, %convert_element_type3A, %cond3A : i32
    scf.if %cond3A_1 {
      %swap3A_52 = arith.constant 0.000000e+00 : f32
      %swap3A_53 = arith.constant 0 : index
      %swap3A_54 = arith.constant 0 : index
      %swap3A_55 = memref.load %arg6[%swap3A_53, %swap3A_54] : memref<1x1xf32, #tpu.memory_space<smem>>
      memref.store %swap3A_52, %arg6[%swap3A_53, %swap3A_54] : memref<1x1xf32, #tpu.memory_space<smem>>
      %swap3A_56 = arith.constant 0.000000e+00 : f32
      %swap3A_57 = arith.constant 0 : index
      %swap3A_58 = arith.constant 0 : index
      %swap3A_59 = memref.load %arg7[%swap3A_57, %swap3A_58] : memref<1x1xf32, #tpu.memory_space<smem>>
      memref.store %swap3A_56, %arg7[%swap3A_57, %swap3A_58] : memref<1x1xf32, #tpu.memory_space<smem>>
    } else {
    }
    %get3A = arith.constant 0 : index
    %get3A_2 = arith.constant 0 : index
    %get3A_3 = vector.load %arg1[%get3A, %get3A_2] : memref<256x64xf32, #tpu.memory_space<vmem>>, vector<256x64xf32>
    %get3A_4 = arith.constant 0 : index
    %get3A_5 = arith.constant 0 : index
    %get3A_6 = vector.load %arg2[%get3A_4, %get3A_5] : memref<4096x64xf32, #tpu.memory_space<vmem>>, vector<4096x64xf32>
    %dot_general3A = arith.constant dense<0.000000e+00> : vector<256x4096xf32>
    %dot_general3A_7 = tpu.matmul %get3A_3, %get3A_6, %dot_general3A {dimension_numbers = #tpu.dot_dimension_numbers<[1], [1], [0], [0], [0, 0, 1, 0], [], []>, transpose_lhs_hint = false} : vector<256x64xf32>, vector<4096x64xf32>, vector<256x4096xf32> -> vector<256x4096xf32>
    %div3A = arith.constant 1.600000e+01 : f32
    %div3A_8 = vector.broadcast %div3A : f32 to vector<256x4096xf32>
    %div3A_9 = arith.divf %dot_general3A_7, %div3A_8 : vector<256x4096xf32>
    %get3A_10 = arith.constant 0 : index
    %get3A_11 = arith.constant 0 : index
    %get3A_12 = vector.load %arg3[%get3A_10, %get3A_11] : memref<256x1xi32, #tpu.memory_space<vmem>>, vector<256x1xi32>
    %get3A_13 = arith.constant 0 : index
    %get3A_14 = arith.constant 0 : index
    %get3A_15 = arith.constant 0 : index
    %get3A_16 = vector.load %arg4[%get3A_13, %get3A_14, %get3A_15] : memref<1x1x4096xi32, #tpu.memory_space<vmem>>, vector<1x1x4096xi32>
    %squeeze3A = vector.shape_cast %get3A_16 : vector<1x1x4096xi32> to vector<1x4096xi32>
    %eq3A_17 = vector.broadcast %get3A_12 : vector<256x1xi32> to vector<256x4096xi32>
    %eq3A_18 = vector.broadcast %squeeze3A : vector<1x4096xi32> to vector<256x4096xi32>
    %eq3A_19 = arith.cmpi eq, %eq3A_17, %eq3A_18 : vector<256x4096xi32>
    %mul3A = arith.constant 256 : i32
    %mul3A_20 = arith.muli %arg0, %mul3A : i32
    %iota3A = tpu.iota {dimensions = array<i32: 0>} : vector<256x4096xi32>
    %add3A = vector.broadcast %mul3A_20 : i32 to vector<256x4096xi32>
    %add3A_21 = arith.addi %add3A, %iota3A : vector<256x4096xi32>
    %iota3A_22 = tpu.iota {dimensions = array<i32: 1>} : vector<256x4096xi32>
    %gt3A = arith.cmpi sgt, %iota3A_22, %add3A_21 : vector<256x4096xi32>
    %and3A = arith.andi %eq3A_19, %gt3A : vector<256x4096xi1>
    %get3A_23 = arith.constant 0 : index
    %get3A_24 = arith.constant 0 : index
    %get3A_25 = memref.load %arg6[%get3A_23, %get3A_24] : memref<1x1xf32, #tpu.memory_space<smem>>
    %jit3A = arith.constant 0.000000e+00 : f32
    %broadcast_in_dim3A = vector.broadcast %jit3A : f32 to vector<256x4096xf32>
    %select_n3A = arith.select %and3A, %div3A_9, %broadcast_in_dim3A : vector<256x4096xi1>, vector<256x4096xf32>
    %reduce_sum3A = vector.shape_cast %select_n3A : vector<256x4096xf32> to vector<1x256x4096xf32>
    %reduce_sum3A_26 = arith.constant dense<0.000000e+00> : vector<1xf32>
    %reduce_sum3A_27 = vector.multi_reduction <add>, %reduce_sum3A, %reduce_sum3A_26 [1, 2] : vector<1x256x4096xf32> to vector<1xf32>
    %reduce_sum3A_28 = vector.shape_cast %reduce_sum3A_27 : vector<1xf32> to vector<1x1x1xf32>
    %reduce_sum3A_29 = vector.extract %reduce_sum3A_28[0, 0, 0] : f32 from vector<1x1x1xf32>
    %add3A_30 = arith.addf %get3A_25, %reduce_sum3A_29 : f32
    %swap3A = arith.constant 0 : index
    %swap3A_31 = arith.constant 0 : index
    %swap3A_32 = memref.load %arg6[%swap3A, %swap3A_31] : memref<1x1xf32, #tpu.memory_space<smem>>
    memref.store %add3A_30, %arg6[%swap3A, %swap3A_31] : memref<1x1xf32, #tpu.memory_space<smem>>
    %get3A_33 = arith.constant 0 : index
    %get3A_34 = arith.constant 0 : index
    %get3A_35 = memref.load %arg7[%get3A_33, %get3A_34] : memref<1x1xf32, #tpu.memory_space<smem>>
    %convert_element_type3A_36 = arith.extui %and3A : vector<256x4096xi1> to vector<256x4096xi32>
    %convert_element_type3A_37 = arith.sitofp %convert_element_type3A_36 : vector<256x4096xi32> to vector<256x4096xf32>
    %reduce_sum3A_38 = vector.shape_cast %convert_element_type3A_37 : vector<256x4096xf32> to vector<1x256x4096xf32>
    %reduce_sum3A_39 = arith.constant dense<0.000000e+00> : vector<1xf32>
    %reduce_sum3A_40 = vector.multi_reduction <add>, %reduce_sum3A_38, %reduce_sum3A_39 [1, 2] : vector<1x256x4096xf32> to vector<1xf32>
    %reduce_sum3A_41 = vector.shape_cast %reduce_sum3A_40 : vector<1xf32> to vector<1x1x1xf32>
    %reduce_sum3A_42 = vector.extract %reduce_sum3A_41[0, 0, 0] : f32 from vector<1x1x1xf32>
    %add3A_43 = arith.addf %get3A_35, %reduce_sum3A_42 : f32
    %swap3A_44 = arith.constant 0 : index
    %swap3A_45 = arith.constant 0 : index
    %swap3A_46 = memref.load %arg7[%swap3A_44, %swap3A_45] : memref<1x1xf32, #tpu.memory_space<smem>>
    memref.store %add3A_43, %arg7[%swap3A_44, %swap3A_45] : memref<1x1xf32, #tpu.memory_space<smem>>
    %eq3A_47 = arith.constant 15 : i32
    %eq3A_48 = arith.cmpi eq, %arg0, %eq3A_47 : i32
    %convert_element_type3A_49 = arith.extui %eq3A_48 : i1 to i32
    %cond3A_50 = arith.constant 0 : i32
    %cond3A_51 = arith.cmpi ne, %convert_element_type3A_49, %cond3A_50 : i32
    scf.if %cond3A_51 {
      %get3A_52 = arith.constant 0 : index
      %get3A_53 = arith.constant 0 : index
      %get3A_54 = memref.load %arg6[%get3A_52, %get3A_53] : memref<1x1xf32, #tpu.memory_space<smem>>
      %get3A_55 = arith.constant 0 : index
      %get3A_56 = arith.constant 0 : index
      %get3A_57 = memref.load %arg7[%get3A_55, %get3A_56] : memref<1x1xf32, #tpu.memory_space<smem>>
      %eq3A_58 = arith.constant 0.000000e+00 : f32
      %eq3A_59 = arith.cmpf oeq, %get3A_57, %eq3A_58 : f32
      %div3A_60 = arith.divf %get3A_54, %get3A_57 : f32
      %jit3A_61 = arith.constant 0.000000e+00 : f32
      %select_n3A_62 = arith.select %eq3A_59, %jit3A_61, %div3A_60 : f32
      %reshape3A = vector.broadcast %select_n3A_62 : f32 to vector<1x1xf32>
      %swap3A_63 = arith.constant 0 : index
      %swap3A_64 = arith.constant 0 : index
      %swap3A_65 = vector.load %arg5[%swap3A_63, %swap3A_64] : memref<1x1xf32, #tpu.memory_space<vmem>>, vector<1x1xf32>
      tpu.vector_store %arg5[%swap3A_63, %swap3A_64], %reshape3A {strides = array<i32>} : memref<1x1xf32, #tpu.memory_space<vmem>>, vector<1x1xf32>,
    } else {
    }
    return
  }
  func.func @transform_0(%arg0: i32) -> (i32, i32) {
    %c0_i32 = arith.constant 0 : i32
    %c0_i32_0 = arith.constant 0 : i32
    return %arg0, %c0_i32 : i32, i32
  }
  func.func @transform_1(%arg0: i32) -> (i32, i32) {
    %c0_i32 = arith.constant 0 : i32
    %c0_i32_0 = arith.constant 0 : i32
    %c0_i32_1 = arith.constant 0 : i32
    return %c0_i32, %c0_i32_0 : i32, i32
  }
  func.func @transform_2(%arg0: i32) -> (i32, i32) {
    %c0_i32 = arith.constant 0 : i32
    %c0_i32_0 = arith.constant 0 : i32
    return %arg0, %c0_i32 : i32, i32
  }
  func.func @transform_3(%arg0: i32) -> (i32, i32, i32) {
    %c0_i32 = arith.constant 0 : i32
    %c0_i32_0 = arith.constant 0 : i32
    %c0_i32_1 = arith.constant 0 : i32
    %c0_i32_2 = arith.constant 0 : i32
    return %c0_i32, %c0_i32_0, %c0_i32_1 : i32, i32, i32
  }
  func.func @transform_4(%arg0: i32) -> (i32, i32) {
    %c0_i32 = arith.constant 0 : i32
    %c0_i32_0 = arith.constant 0 : i32
    %c0_i32_1 = arith.constant 0 : i32
    return %c0_i32, %c0_i32_0 : i32, i32
  }
}

</mosaic_0001>

<sc_bundles>
// kernel: kernel.5.cloned.1.call-start
scs
__scs_entry_jumppad:
0x0: {  	(pc) =	sbr.rel $0x88, $3  }
0x1: {  	(tag) =	ssettag $0x0;
	lr =	simm.s32 $0x1  }
0x2: {  	[smem:$0x3F9F] =	sst lr;
	_ =	strace $0xD0000000  }
0x3: {  	_ = 	snop  }
0x4: {  	_ = 	snop  }
0x5: {  	_ = 	snop  }
0x6: {  	_ = 	snop  }
0x7: {  	_ = 	snop  }
__scs_overlays_trampoline_lowered:
0x8: {  	[smem:$0x3FAE] =	sst s0  }
0x9: {  	[smem:$0x3FAF] =	sst s1  }
0xa: {  	[smem:$0x3FB0] =	sst s2  }
0xb: {  	[smem:$0x3FB1] =	sst s3  }
0xc: {  	[smem:$0x3FB2] =	sst s4  }
0xd: {  	[smem:$0x3FB3] =	sst s5  }
0xe: {  	[smem:$0x3FB4] =	sst s6  }
0xf: {  	[smem:$0x3FB5] =	sst s7  }
0x10: {  	[smem:$0x3FB6] =	sst s8  }
0x11: {  	[smem:$0x3FB7] =	sst s9;
	s0 =	simm.s32 @!p0 $0x0  }
0x12: {  	s1 =	sld [smem:$0x3F9D];
	s0 =	simm.s32 @p0 $0x1  }
0x13: {  	[smem:$0x3FB8] =	sst s0;
	s0 =	simm.s32 @!p1 $0x0  }
0x14: {  	s2 =	sld [smem:$0x3F9C];
	s0 =	simm.s32 @p1 $0x1  }
0x15: {  	[smem:$0x3FB9] =	sst s0;
	s0 =	simm.s32 @!p2 $0x0  }
0x16: {  	s3 =	sld [smem:$0x3FDB];
	s0 =	simm.s32 @p2 $0x1  }
0x17: {  	s4 =	simm.s32 $0x1BF5;
	[smem:$0x3FBB] =	sst s0  }
0x18: {  	s0 =	sld [smem:$0x3F9E];
	_ =	swait.ge [sflag:s4], $0x0  }
0x19: {  	s7 =	sld [smem:$0x3F9F]  }
0x1a: {  	s8 =	sadd.s32 $0xFFFFE003, lr  }
0x1b: {  	s9 =	sadd.s32 $0xFFFFFEF7, lr;
	s5 =	simm.s32 $0xFFFFFFFF;
	p2 =	slt.u32 s8, $0xFFFFF086  }
0x1c: {  	p1 =	slt.u32 s9, $0xF7A;
	s5 =	simm.s32 @!p2 $0x0  }
0x1d: {  	s5 =	simm.s32 @p1 $0x1;
	p0 =	seq.s32 s7, s2  }
0x1e: {  	s7 =	smul.u32 @!p0 $0xF7A, s2;
	p2 =	seq.s32 @!p0 s5, $0x0  }
0x1f: {  	s9 =	smul.u32 $0xF7A, s1;
	s8 =	simm.s32 @!p0 $0x1BF5;
	p2 =	por !p2, p0  }
0x20: {  	[sflag:s8] =	ssyncset.s32 @!p0 $0xFFFFF086;
	s6 =	sadd.s32 @!p0 s3, s7;
	s7 =	simm.s32 @!p0 $0x108  }
0x21: {  	s3 =	sadd.s32 s3, s9;
	s6 =	sadd.s32 @!p0 $0x88, s6;
	s7 =	simm.s32 @p2 $0x1082  }
0x22: {  	[simem:s7], [sflag:s8] =	dma.local @!p0 [hbm:s6], $0xF7A  }
0x23: {  	s9 =	sor.u32 $0xD0000000, s2;
	s6 =	simm.s32 $0x108;
	_ =	swait.ge @!p0 [sflag:s8], $0x0  }
0x24: {  	s3 =	sadd.s32 $0x88, s3;
	s6 =	simm.s32 @!p1 $0x1082;
	[sflag:s4] =	ssyncset.s32 $0xFFFFF086  }
0x25: {  	[simem:s6], [sflag:s4] =	dma.local [hbm:s3], $0xF7A  }
0x26: {  	[smem:$0x3F9F] =	sst s1;
	(tag) =	ssettag s2;
	_ =	strace s9  }
0x27: {  	s1 =	sld [smem:$0x3FAF]  }
0x28: {  	s2 =	sld [smem:$0x3FB0]  }
0x29: {  	s4 =	sld [smem:$0x3FB2]  }
0x2a: {  	p0 =	seq.s32 s5, $0x0;
	s5 =	sld [smem:$0x3FB3]  }
0x2b: {  	s6 =	sld [smem:$0x3FB4]  }
0x2c: {  	s7 =	sld [smem:$0x3FB5]  }
0x2d: {  	s3 =	simm.s32 $0x108;
	s8 =	sld [smem:$0x3FB6]  }
0x2e: {  	s3 =	simm.s32 @!p0 $0x1082;
	s9 =	sld [smem:$0x3FB7]  }
0x2f: {  	lr =	sadd.s32 s0, s3;
	s0 =	sld [smem:$0x3FAE]  }
0x30: {  	s3 =	sld [smem:$0x3FB1]  }
0x31: {  	[smem:$0x3FBA] =	sst s10  }
0x32: {  	s10 =	sld [smem:$0x3FB8];
	_ =	sdelay $0x3  }
0x33: {  	p0 =	seq.s32 s10, $0x1;
	s10 =	sld [smem:$0x3FBA];
	_ =	sdelay $0x3  }
0x34: {  	[smem:$0x3FBA] =	sst s10  }
0x35: {  	s10 =	sld [smem:$0x3FB9];
	_ =	sdelay $0x3  }
0x36: {  	p1 =	seq.s32 s10, $0x1;
	s10 =	sld [smem:$0x3FBA];
	_ =	sdelay $0x3  }
0x37: {  	[smem:$0x3FBA] =	sst s10  }
0x38: {  	s10 =	sld [smem:$0x3FBB]  }
0x39: {  	_ = 	snop;
	(pc) =	sbr.ind lr, $3  }
0x3a: {  	_ = 	snop  }
0x3b: {  	_ = 	snop  }
0x3c: {  	p2 =	seq.s32 s10, $0x1;
	s10 =	sld [smem:$0x3FBA]  }
0x3d: {  	_ =	shalt  }
0x3e: {  	_ =	shalt  }
0x3f: {  	_ =	shalt  }
0x40: {  	_ =	shalt  }
0x41: {  	_ =	shalt  }
0x42: {  	_ =	shalt  }
0x43: {  	_ =	shalt  }
0x44: {  	_ =	shalt  }
0x45: {  	_ =	shalt  }
0x46: {  	_ =	shalt  }
0x47: {  	_ =	shalt  }
0x48: {  	_ =	shalt  }
0x49: {  	_ =	shalt  }
0x4a: {  	_ =	shalt  }
0x4b: {  	_ =	shalt  }
0x4c: {  	_ =	shalt  }
0x4d: {  	_ =	shalt  }
0x4e: {  	_ =	shalt  }
0x4f: {  	_ =	shalt  }
0x50: {  	_ =	shalt  }
0x51: {  	_ =	shalt  }
0x52: {  	_ =	shalt  }
0x53: {  	_ =	shalt  }
0x54: {  	_ =	shalt  }
0x55: {  	_ =	shalt  }
0x56: {  	_ =	shalt  }
0x57: {  	_ =	shalt  }
0x58: {  	_ =	shalt  }
0x59: {  	_ =	shalt  }
0x5a: {  	_ =	shalt  }
0x5b: {  	_ =	shalt  }
0x5c: {  	_ =	shalt  }
0x5d: {  	_ =	shalt  }
0x5e: {  	_ =	shalt  }
0x5f: {  	_ =	shalt  }
0x60: {  	_ =	shalt  }
0x61: {  	_ =	shalt  }
0x62: {  	_ =	shalt  }
0x63: {  	_ =	shalt  }
0x64: {  	_ =	shalt  }
0x65: {  	_ =	shalt  }
0x66: {  	_ =	shalt  }
0x67: {  	_ =	shalt  }
0x68: {  	_ =	shalt  }
0x69: {  	_ =	shalt  }
0x6a: {  	_ =	shalt  }
0x6b: {  	_ =	shalt  }
0x6c: {  	_ =	shalt  }
0x6d: {  	_ =	shalt  }
0x6e: {  	_ =	shalt  }
0x6f: {  	_ =	shalt  }
0x70: {  	_ =	shalt  }
0x71: {  	_ =	shalt  }
0x72: {  	_ =	shalt  }
0x73: {  	_ =	shalt  }
0x74: {  	_ =	shalt  }
0x75: {  	_ =	shalt  }
0x76: {  	_ =	shalt  }
0x77: {  	_ =	shalt  }
0x78: {  	_ =	shalt  }
0x79: {  	_ =	shalt  }
0x7a: {  	_ =	shalt  }
0x7b: {  	_ =	shalt  }
0x7c: {  	_ =	shalt  }
0x7d: {  	_ =	shalt  }
0x7e: {  	_ =	shalt  }
0x7f: {  	_ =	shalt  }
0x80: {  	_ =	shalt  }
0x81: {  	_ =	shalt  }
0x82: {  	_ =	shalt  }
0x83: {  	_ =	shalt  }
0x84: {  	_ =	shalt  }
0x85: {  	_ =	shalt  }
0x86: {  	_ =	shalt  }
0x87: {  	_ =	shalt  }
.Lfunc_end0:
.L_simem_size_0:
called_computation_lowered:
.L_overlay_start_0:
0x88: {  	s2 =	sld [smem:$0x3FD9]  }
0x89: {  	s3 =	sld [smem:$0x3FFE];
	_ =	sdelay $0x1  }
0x8a: {  	s1 =	srdreg.scid  }
0x8b: {  	s0 =	sand.u32 $0x1, s1  }
0x8c: {  	s16 =	sshll.u32 s0, $0xA;
	s2 =	sadd.s32 s3, s2  }
0x8d: {  	s2 =	sadd.s32 s2, s16  }
0x8e: {  	[smem:$0x3FC6] =	sst s2  }
0x8f: {  	_ = 	snop  }
0x90: {  	(tm) =	ssettm $0x1  }
0x91: {  	s17 =	sld [smem:$0x3FFB];
	_ =	sdelay $0x3  }
0x92: {  	_ =	strace s17  }
0x93: {  	s2 =	sld [smem:$0x3FFC];
	_ =	sdelay $0x3  }
0x94: {  	_ =	strace s2  }
0x95: {  	s2 =	sld [smem:$0x3FFD];
	_ =	sdelay $0x3  }
0x96: {  	_ =	strace s2  }
0x97: {  	_ =	strace $0x8FFFFFFF  }
0x98: {  	s18 =	sld [smem:$0x3FDB];
	_ =	sdelay $0x1  }
0x99: {  	s19 =	simm.s32 $_scs_section_size  }
0x9a: {  	s4 =	simm.s32 $_size__tile_overlayer_lowered;
	s5 =	simm.s32 $_tile_overlayer_lowered  }
0x9b: {  	s22 =	simm.s32 $0x1BFF;
	s21 =	sshll.u32 s5, $0x1;
	s2 =	sadd.s32 s19, s18  }
0x9c: {  	s6 =	simm.s32 $0x0;
	s20 =	sshll.u32 s4, $0x1;
	s4 =	sadd.s32 s21, s2  }
0x9d: {  	[timem:s6], [sflag:s22] =	dma.local [hbm:s4], s20  }
0x9e: {  	_ =	swait.ge [sflag:s22], s20  }
0x9f: {  	s3 =	ssub.s32 $0x0, s20;
	[sflag:s22] =	ssyncset.done $0x0  }
0xa0: {  	[sflag:s22] =	ssyncadd.s32 s3;
	_ =	sdelay $0x1  }
0xa1: {  	s23 =	simm.s32 $0x1B8B  }
0xa2: {  	_ =	swait.ge [sflag:s23], $0x1  }
0xa3: {  	[sflag:s23] =	ssyncset.done $0x0  }
0xa4: {  	s25 =	simm.s32 $0x1B8E;
	s24 =	sld [smem:$0x3FFE];
	[sflag:s23] =	ssyncadd.s32 $0xFFFFFFFF  }
0xa5: {  	s26 =	simm.s32 $execute0_lowered;
	[smem:$0x3FD2] =	sst s25  }
0xa6: {  	s4 =	sshll.u32 s26, $0x1;
	_ =	strace $0x80000046;
	[dreg:$0x1] =	wrdreg $0xFFFFFFFF  }
0xa7: {  	s28 =	simm.s32 $_size_execute0_lowered;
	s2 =	sadd.s32 s2, s4;
	[dreg:$0x0] =	wrdreg $0x0  }
0xa8: {  	s4 =	sshll.u32 s28, $0x1;
	[dreg:$0x2] =	wrdreg s2  }
0xa9: {  	[dreg:$0x3] =	wrdreg s4  }
0xaa: {  	[dreg:$0x4] =	wrdreg $0xC0  }
0xab: {  	_ =	task [dreg:s6], $0x5FFFF  }
0xac: {  	[dreg:$0x1] =	wrdreg $0xFFFFFFFF  }
0xad: {  	[dreg:$0x0] =	wrdreg $0x60  }
0xae: {  	[dreg:$0x2] =	wrdreg s24  }
0xaf: {  	[dreg:$0x3] =	wrdreg $0x9  }
0xb0: {  	_ =	task.clear_ibuf [dreg:s6], $0x4FFFF;
	_ =	strace $0x90000046  }
0xb1: {  	s29 =	simm.s32 $0x9;
	_ =	strace $0x80000048  }
0xb2: {  	_ =	swait.ge [sflag:s29], $0x1  }
0xb3: {  	[sflag:s29] =	ssyncadd.s32 $0xFFFFFFFF  }
0xb4: {  	_ =	strace $0x90000048  }
0xb5: {  	_ =	sfence  }
0xb6: {  	s30 =	sld [smem:$0x0];
	_ =	sdelay $0x2  }
0xb7: {  	s31 =	sshll.u32 s1, $0xD;
	s1 =	sshrl.u32 s1, $0x2  }
0xb8: {  	s3 =	sand.u32 $0x4000, s31;
	s1 =	sadd.s32 s1, s30  }
0xb9: {  	s0 =	sor.u32 s3, s0;
	s1 =	sshll.u32 s1, $0x11  }
0xba: {  	s0 =	sor.u32 s1, s0  }
0xbb: {  	s0 =	sadd.s32 $0x8F2B, s0  }
0xbc: {  	[sflag:s0] =	ssyncadd.remote.s32 $0x1  }
0xbd: {  	_ =	sfence.sel $0xFFFF  }
0xbe: {  	[dreg:$0x0] =	wrdreg $0xFFFFFFFF;
	(pc) =	sbr.abs _section_cstart, $3  }
0xbf: {  	[dreg:$0x1] =	wrdreg $0xFFFFFFFF  }
0xc0: {  	_ =	task.clear_ibuf [dreg:s6], $0x2FFFF;
	_ =	strace $0x9FFFFFFF  }
0xc1: {  	(tm) =	ssettm $0x7FFFFFFF  }
tec
execute0_lowered:
.L_overlay_start_1:
0x0: {  	(tag) =	ssettag $0x1  }
0x1: {  	s3 =	rddreg [dreg:$0x0];
	s1 =	srdreg.scid  }
0x2: {  	s0 =	rddreg [dreg:$0x1];
	s2 =	simm.s32 $0x0;
	s9 =	simm.s32 $0x2  }
0x3: {  	s10 =	simm.s32 $0x4080;
	s11 =	simm.s32 $0x3;
	s4 =	sand.u32 $0x1, s1  }
0x4: {  	s12 =	simm.s32 $0x0;
	s1 =	stileid.u32;
	s5 =	sshll.u32 s4, $0x4  }
0x5: {  	[smem:$0x7FF] =	sst s2;
	s4 =	ssub.s32 $0x2, s4;
	s5 =	sor.u32 s1, s5  }
0x6: {  	_ =	strace $0x80000047;
	s8 =	sshrl.u32 s4, $0x1;
	s6 =	sshll.u32 s5, $0xB  }
0x7: {  	s7 =	sshll.u32 s5, $0x4;
	s5 =	sshll.u32 s5, $0xD;
	s8 =	ssub.s32 s4, s8  }
0x8: {  	s6 =	sadd.s32 s6, s3;
	s7 =	sadd.s32 s7, s3;
	s5 =	sadd.s32 s5, s3  }
0x9: {  	s3 =	sadd.s32 $0x1000, s7;
	s4 =	sadd.s32 $0x1400, s6;
	s5 =	sadd.s32 $0x11400, s5  }
0xa: {  	v0 =	vimm.f32 $0.0e+00;
	v1 =	vimm.f32 $1.000000000e+00;
	s6 =	smax.u32 s8, $0x1;
	s7 =	simm.s32 $0x4000;
	s8 =	simm.s32 $0x1  }
.LBB2_1:
0xb: {  	[tilespmem:s7], [sflag:$0x1] =	stream.linear.gather [hbm4b:s3+s2], $0x80, $0x38;
	[tilespmem:$0x14080] =	vst v63  }
0xc: {  	s14 =	simm.s32 $0x200;
	s13 =	simm.s32 $0x0  }
0xd: {  	[tilespmem:s2], [sflag:$0x2] =	stream.linear.gather [hbm4b:s4+s2], $0x4000, $0x38;
	[tilespmem:$0x14080] =	vst v63  }
.LBB2_2:
0xe: {  	p0 =	sne.s32 s14, $0x3FE00;
	[tilespmem:s13+$0x40C0] =	vst v0;
	s15 =	smov.u32 s14;
	s14 =	sadd.s32 $0x200, s14  }
.Ltmp0:
0xf: {  	[tilespmem:s13+$0x40B0] =	vst v0;
	(pc) =	sbr.rel @p0 .LBB2_2-.Ltmp0, $4  }
0x10: {  	[tilespmem:s13+$0x40A0] =	vst v0  }
0x11: {  	[tilespmem:s13+$0x4080] =	vst v0  }
0x12: {  	[tilespmem:s13+$0x4090] =	vst v0  }
0x13: {  	s13 =	sshra.s32 s15, $0x2  }
0x14: {  	[tilespmem:s13+$0x40C0] =	vst v0  }
0x15: {  	[tilespmem:s13+$0x40B0] =	vst v0  }
0x16: {  	[tilespmem:s13+$0x40A0] =	vst v0  }
0x17: {  	[tilespmem:s13+$0x4080] =	vst v0  }
0x18: {  	[tilespmem:s13+$0x4090] =	vst v0  }
0x19: {  	_ =	swait.ge [sflag:s8], $0x80  }
0x1a: {  	[sflag:s8] =	ssyncset.done $0x0  }
0x1b: {  	[sflag:s8] =	ssyncadd.s32 $0xFFFFFF80  }
0x1c: {  	_ =	swait.ge [sflag:s9], $0x4000  }
0x1d: {  	[sflag:s9] =	ssyncset.done $0x0  }
0x1e: {  	s13 =	simm.s32 $0x0;
	s14 =	simm.s32 $0x400;
	[sflag:s9] =	ssyncadd.s32 $0xFFFFC000  }
.LBB2_4:
0x1f: {  	s15 =	sshra.s32 s13, $0x2  }
0x20: {  	v2 =	vld [tilespmem:s15+$0x4000];
	_ =	sdelay $0x4  }
0x21: {  	v2 =	vshll.u32 v2, $0x9  }
0x22: {  	v2 =	vshra.s32 v2, $0x2  }
0x23: {  	(v2sf) =	vpush v2, $0x0;
	_ =	sdelay $0xa  }
0x24: {  	v3 =	vld [tilespmem:s14+$0xFFFFFC00];
	_ =	sdelay $0x3  }
0x25: {  	s31 =	spop (v2sf)  }
0x26: {  	[tilespmem:s31+$0x4080] =	vst.add.f32.msk $0xffff, v3  }
0x27: {  	v3 =	vld [tilespmem:s14+$0xFFFFFC10];
	_ =	sdelay $0x4  }
0x28: {  	[tilespmem:s31+$0x4090] =	vst.add.f32.msk $0xffff, v3  }
0x29: {  	v3 =	vld [tilespmem:s14+$0xFFFFFC20]  }
0x2a: {  	(v2sf) =	vpush v2, $0x1;
	_ =	sdelay $0x3  }
0x2b: {  	[tilespmem:s31+$0x40A0] =	vst.add.f32.msk $0xffff, v3  }
0x2c: {  	v3 =	vld [tilespmem:s14+$0xFFFFFC30];
	_ =	sdelay $0x3  }
0x2d: {  	[tilespmem:s31+$0x40C0] =	vst.add.f32.msk $0xffff, v1  }
0x2e: {  	[tilespmem:s31+$0x40B0] =	vst.add.f32.msk $0xffff, v3  }
0x2f: {  	v3 =	vld [tilespmem:s14+$0xFFFFFC80];
	_ =	sdelay $0x3  }
0x30: {  	s16 =	spop (v2sf)  }
0x31: {  	[tilespmem:s16+$0x4080] =	vst.add.f32.msk $0xffff, v3  }
0x32: {  	v3 =	vld [tilespmem:s14+$0xFFFFFC90];
	_ =	sdelay $0x4  }
0x33: {  	[tilespmem:s16+$0x4090] =	vst.add.f32.msk $0xffff, v3  }
0x34: {  	v3 =	vld [tilespmem:s14+$0xFFFFFCA0]  }
0x35: {  	(v2sf) =	vpush v2, $0x2;
	_ =	sdelay $0x3  }
0x36: {  	[tilespmem:s16+$0x40A0] =	vst.add.f32.msk $0xffff, v3  }
0x37: {  	v3 =	vld [tilespmem:s14+$0xFFFFFCB0];
	_ =	sdelay $0x3  }
0x38: {  	[tilespmem:s16+$0x40C0] =	vst.add.f32.msk $0xffff, v1  }
0x39: {  	[tilespmem:s16+$0x40B0] =	vst.add.f32.msk $0xffff, v3  }
0x3a: {  	v3 =	vld [tilespmem:s14+$0xFFFFFD00];
	_ =	sdelay $0x3  }
0x3b: {  	s17 =	spop (v2sf)  }
0x3c: {  	[tilespmem:s17+$0x4080] =	vst.add.f32.msk $0xffff, v3  }
0x3d: {  	v3 =	vld [tilespmem:s14+$0xFFFFFD10];
	_ =	sdelay $0x4  }
0x3e: {  	[tilespmem:s17+$0x4090] =	vst.add.f32.msk $0xffff, v3  }
0x3f: {  	v3 =	vld [tilespmem:s14+$0xFFFFFD20]  }
0x40: {  	(v2sf) =	vpush v2, $0x3;
	_ =	sdelay $0x3  }
0x41: {  	[tilespmem:s17+$0x40A0] =	vst.add.f32.msk $0xffff, v3  }
0x42: {  	v3 =	vld [tilespmem:s14+$0xFFFFFD30];
	_ =	sdelay $0x3  }
0x43: {  	[tilespmem:s17+$0x40C0] =	vst.add.f32.msk $0xffff, v1  }
0x44: {  	[tilespmem:s17+$0x40B0] =	vst.add.f32.msk $0xffff, v3  }
0x45: {  	v3 =	vld [tilespmem:s14+$0xFFFFFD80];
	_ =	sdelay $0x3  }
0x46: {  	s18 =	spop (v2sf)  }
0x47: {  	[tilespmem:s18+$0x4080] =	vst.add.f32.msk $0xffff, v3  }
0x48: {  	v3 =	vld [tilespmem:s14+$0xFFFFFD90];
	_ =	sdelay $0x4  }
0x49: {  	[tilespmem:s18+$0x4090] =	vst.add.f32.msk $0xffff, v3  }
0x4a: {  	v3 =	vld [tilespmem:s14+$0xFFFFFDA0]  }
0x4b: {  	(v2sf) =	vpush v2, $0x4;
	_ =	sdelay $0x3  }
0x4c: {  	[tilespmem:s18+$0x40A0] =	vst.add.f32.msk $0xffff, v3  }
0x4d: {  	v3 =	vld [tilespmem:s14+$0xFFFFFDB0];
	_ =	sdelay $0x3  }
0x4e: {  	[tilespmem:s18+$0x40C0] =	vst.add.f32.msk $0xffff, v1  }
0x4f: {  	[tilespmem:s18+$0x40B0] =	vst.add.f32.msk $0xffff, v3  }
0x50: {  	v3 =	vld [tilespmem:s14+$0xFFFFFE00];
	_ =	sdelay $0x3  }
0x51: {  	s19 =	spop (v2sf)  }
0x52: {  	[tilespmem:s19+$0x4080] =	vst.add.f32.msk $0xffff, v3  }
0x53: {  	v3 =	vld [tilespmem:s14+$0xFFFFFE10];
	_ =	sdelay $0x4  }
0x54: {  	[tilespmem:s19+$0x4090] =	vst.add.f32.msk $0xffff, v3  }
0x55: {  	v3 =	vld [tilespmem:s14+$0xFFFFFE20]  }
0x56: {  	(v2sf) =	vpush v2, $0x5;
	_ =	sdelay $0x3  }
0x57: {  	[tilespmem:s19+$0x40A0] =	vst.add.f32.msk $0xffff, v3  }
0x58: {  	v3 =	vld [tilespmem:s14+$0xFFFFFE30];
	_ =	sdelay $0x3  }
0x59: {  	[tilespmem:s19+$0x40C0] =	vst.add.f32.msk $0xffff, v1  }
0x5a: {  	[tilespmem:s19+$0x40B0] =	vst.add.f32.msk $0xffff, v3  }
0x5b: {  	v3 =	vld [tilespmem:s14+$0xFFFFFE80];
	_ =	sdelay $0x3  }
0x5c: {  	s20 =	spop (v2sf)  }
0x5d: {  	[tilespmem:s20+$0x4080] =	vst.add.f32.msk $0xffff, v3  }
0x5e: {  	v3 =	vld [tilespmem:s14+$0xFFFFFE90];
	_ =	sdelay $0x4  }
0x5f: {  	[tilespmem:s20+$0x4090] =	vst.add.f32.msk $0xffff, v3  }
0x60: {  	v3 =	vld [tilespmem:s14+$0xFFFFFEA0]  }
0x61: {  	(v2sf) =	vpush v2, $0x6;
	_ =	sdelay $0x3  }
0x62: {  	[tilespmem:s20+$0x40A0] =	vst.add.f32.msk $0xffff, v3  }
0x63: {  	v3 =	vld [tilespmem:s14+$0xFFFFFEB0];
	_ =	sdelay $0x3  }
0x64: {  	[tilespmem:s20+$0x40C0] =	vst.add.f32.msk $0xffff, v1  }
0x65: {  	[tilespmem:s20+$0x40B0] =	vst.add.f32.msk $0xffff, v3  }
0x66: {  	v3 =	vld [tilespmem:s14+$0xFFFFFF00];
	_ =	sdelay $0x3  }
0x67: {  	s21 =	spop (v2sf)  }
0x68: {  	[tilespmem:s21+$0x4080] =	vst.add.f32.msk $0xffff, v3  }
0x69: {  	v3 =	vld [tilespmem:s14+$0xFFFFFF10];
	_ =	sdelay $0x4  }
0x6a: {  	[tilespmem:s21+$0x4090] =	vst.add.f32.msk $0xffff, v3  }
0x6b: {  	v3 =	vld [tilespmem:s14+$0xFFFFFF20]  }
0x6c: {  	(v2sf) =	vpush v2, $0x7;
	_ =	sdelay $0x3  }
0x6d: {  	[tilespmem:s21+$0x40A0] =	vst.add.f32.msk $0xffff, v3  }
0x6e: {  	v3 =	vld [tilespmem:s14+$0xFFFFFF30];
	_ =	sdelay $0x3  }
0x6f: {  	[tilespmem:s21+$0x40C0] =	vst.add.f32.msk $0xffff, v1  }
0x70: {  	[tilespmem:s21+$0x40B0] =	vst.add.f32.msk $0xffff, v3  }
0x71: {  	v3 =	vld [tilespmem:s14+$0xFFFFFF80];
	_ =	sdelay $0x3  }
0x72: {  	s22 =	spop (v2sf)  }
0x73: {  	[tilespmem:s22+$0x4080] =	vst.add.f32.msk $0xffff, v3  }
0x74: {  	v3 =	vld [tilespmem:s14+$0xFFFFFF90];
	_ =	sdelay $0x4  }
0x75: {  	[tilespmem:s22+$0x4090] =	vst.add.f32.msk $0xffff, v3  }
0x76: {  	v3 =	vld [tilespmem:s14+$0xFFFFFFA0]  }
0x77: {  	(v2sf) =	vpush v2, $0x8;
	_ =	sdelay $0x3  }
0x78: {  	[tilespmem:s22+$0x40A0] =	vst.add.f32.msk $0xffff, v3  }
0x79: {  	v3 =	vld [tilespmem:s14+$0xFFFFFFB0];
	_ =	sdelay $0x3  }
0x7a: {  	[tilespmem:s22+$0x40C0] =	vst.add.f32.msk $0xffff, v1  }
0x7b: {  	[tilespmem:s22+$0x40B0] =	vst.add.f32.msk $0xffff, v3  }
0x7c: {  	v3 =	vld [tilespmem:s14+$0x0];
	_ =	sdelay $0x3  }
0x7d: {  	s23 =	spop (v2sf)  }
0x7e: {  	[tilespmem:s23+$0x4080] =	vst.add.f32.msk $0xffff, v3  }
0x7f: {  	v3 =	vld [tilespmem:s14+$0x10];
	_ =	sdelay $0x4  }
0x80: {  	[tilespmem:s23+$0x4090] =	vst.add.f32.msk $0xffff, v3  }
0x81: {  	v3 =	vld [tilespmem:s14+$0x20]  }
0x82: {  	(v2sf) =	vpush v2, $0x9;
	_ =	sdelay $0x3  }
0x83: {  	[tilespmem:s23+$0x40A0] =	vst.add.f32.msk $0xffff, v3  }
0x84: {  	v3 =	vld [tilespmem:s14+$0x30];
	_ =	sdelay $0x3  }
0x85: {  	[tilespmem:s23+$0x40C0] =	vst.add.f32.msk $0xffff, v1  }
0x86: {  	[tilespmem:s23+$0x40B0] =	vst.add.f32.msk $0xffff, v3  }
0x87: {  	v3 =	vld [tilespmem:s14+$0x80];
	_ =	sdelay $0x3  }
0x88: {  	s24 =	spop (v2sf)  }
0x89: {  	[tilespmem:s24+$0x4080] =	vst.add.f32.msk $0xffff, v3  }
0x8a: {  	v3 =	vld [tilespmem:s14+$0x90];
	_ =	sdelay $0x4  }
0x8b: {  	[tilespmem:s24+$0x4090] =	vst.add.f32.msk $0xffff, v3  }
0x8c: {  	v3 =	vld [tilespmem:s14+$0xA0]  }
0x8d: {  	(v2sf) =	vpush v2, $0xA;
	_ =	sdelay $0x3  }
0x8e: {  	[tilespmem:s24+$0x40A0] =	vst.add.f32.msk $0xffff, v3  }
0x8f: {  	v3 =	vld [tilespmem:s14+$0xB0];
	_ =	sdelay $0x3  }
0x90: {  	[tilespmem:s24+$0x40C0] =	vst.add.f32.msk $0xffff, v1  }
0x91: {  	[tilespmem:s24+$0x40B0] =	vst.add.f32.msk $0xffff, v3  }
0x92: {  	v3 =	vld [tilespmem:s14+$0x100];
	_ =	sdelay $0x3  }
0x93: {  	s25 =	spop (v2sf)  }
0x94: {  	[tilespmem:s25+$0x4080] =	vst.add.f32.msk $0xffff, v3  }
0x95: {  	v3 =	vld [tilespmem:s14+$0x110];
	_ =	sdelay $0x4  }
0x96: {  	[tilespmem:s25+$0x4090] =	vst.add.f32.msk $0xffff, v3  }
0x97: {  	v3 =	vld [tilespmem:s14+$0x120]  }
0x98: {  	(v2sf) =	vpush v2, $0xB;
	_ =	sdelay $0x3  }
0x99: {  	[tilespmem:s25+$0x40A0] =	vst.add.f32.msk $0xffff, v3  }
0x9a: {  	v3 =	vld [tilespmem:s14+$0x130];
	_ =	sdelay $0x3  }
0x9b: {  	[tilespmem:s25+$0x40C0] =	vst.add.f32.msk $0xffff, v1  }
0x9c: {  	[tilespmem:s25+$0x40B0] =	vst.add.f32.msk $0xffff, v3  }
0x9d: {  	v3 =	vld [tilespmem:s14+$0x180];
	_ =	sdelay $0x3  }
0x9e: {  	s26 =	spop (v2sf)  }
0x9f: {  	[tilespmem:s26+$0x4080] =	vst.add.f32.msk $0xffff, v3  }
0xa0: {  	v3 =	vld [tilespmem:s14+$0x190];
	_ =	sdelay $0x4  }
0xa1: {  	[tilespmem:s26+$0x4090] =	vst.add.f32.msk $0xffff, v3  }
0xa2: {  	v3 =	vld [tilespmem:s14+$0x1A0]  }
0xa3: {  	(v2sf) =	vpush v2, $0xC;
	_ =	sdelay $0x3  }
0xa4: {  	[tilespmem:s26+$0x40A0] =	vst.add.f32.msk $0xffff, v3  }
0xa5: {  	v3 =	vld [tilespmem:s14+$0x1B0];
	_ =	sdelay $0x3  }
0xa6: {  	[tilespmem:s26+$0x40C0] =	vst.add.f32.msk $0xffff, v1  }
0xa7: {  	[tilespmem:s26+$0x40B0] =	vst.add.f32.msk $0xffff, v3  }
0xa8: {  	v3 =	vld [tilespmem:s14+$0x200];
	_ =	sdelay $0x3  }
0xa9: {  	s28 =	spop (v2sf)  }
0xaa: {  	[tilespmem:s28+$0x4080] =	vst.add.f32.msk $0xffff, v3  }
0xab: {  	v3 =	vld [tilespmem:s14+$0x210];
	_ =	sdelay $0x4  }
0xac: {  	[tilespmem:s28+$0x4090] =	vst.add.f32.msk $0xffff, v3  }
0xad: {  	v3 =	vld [tilespmem:s14+$0x220]  }
0xae: {  	(v2sf) =	vpush v2, $0xD;
	_ =	sdelay $0x3  }
0xaf: {  	[tilespmem:s28+$0x40A0] =	vst.add.f32.msk $0xffff, v3  }
0xb0: {  	v3 =	vld [tilespmem:s14+$0x230];
	_ =	sdelay $0x3  }
0xb1: {  	[tilespmem:s28+$0x40C0] =	vst.add.f32.msk $0xffff, v1  }
0xb2: {  	[tilespmem:s28+$0x40B0] =	vst.add.f32.msk $0xffff, v3  }
0xb3: {  	v3 =	vld [tilespmem:s14+$0x280];
	_ =	sdelay $0x3  }
0xb4: {  	s29 =	spop (v2sf)  }
0xb5: {  	[tilespmem:s29+$0x4080] =	vst.add.f32.msk $0xffff, v3  }
0xb6: {  	v3 =	vld [tilespmem:s14+$0x290];
	_ =	sdelay $0x4  }
0xb7: {  	[tilespmem:s29+$0x4090] =	vst.add.f32.msk $0xffff, v3  }
0xb8: {  	v3 =	vld [tilespmem:s14+$0x2A0]  }
0xb9: {  	(v2sf) =	vpush v2, $0xE;
	_ =	sdelay $0x3  }
0xba: {  	[tilespmem:s29+$0x40A0] =	vst.add.f32.msk $0xffff, v3  }
0xbb: {  	v3 =	vld [tilespmem:s14+$0x2B0];
	_ =	sdelay $0x3  }
0xbc: {  	[tilespmem:s29+$0x40C0] =	vst.add.f32.msk $0xffff, v1  }
0xbd: {  	[tilespmem:s29+$0x40B0] =	vst.add.f32.msk $0xffff, v3  }
0xbe: {  	v3 =	vld [tilespmem:s14+$0x300];
	_ =	sdelay $0x3  }
0xbf: {  	s30 =	spop (v2sf)  }
0xc0: {  	[tilespmem:s30+$0x4080] =	vst.add.f32.msk $0xffff, v3  }
0xc1: {  	v3 =	vld [tilespmem:s14+$0x310];
	_ =	sdelay $0x4  }
0xc2: {  	[tilespmem:s30+$0x4090] =	vst.add.f32.msk $0xffff, v3  }
0xc3: {  	v3 =	vld [tilespmem:s14+$0x320]  }
0xc4: {  	(v2sf) =	vpush v2, $0xF;
	_ =	sdelay $0x3  }
0xc5: {  	[tilespmem:s30+$0x40A0] =	vst.add.f32.msk $0xffff, v3  }
0xc6: {  	v2 =	vld [tilespmem:s14+$0x330];
	_ =	sdelay $0x3  }
0xc7: {  	[tilespmem:s30+$0x40C0] =	vst.add.f32.msk $0xffff, v1  }
0xc8: {  	[tilespmem:s30+$0x40B0] =	vst.add.f32.msk $0xffff, v2  }
0xc9: {  	v2 =	vld [tilespmem:s14+$0x380];
	_ =	sdelay $0x3  }
0xca: {  	s31 =	spop (v2sf)  }
0xcb: {  	[tilespmem:s31+$0x4080] =	vst.add.f32.msk $0xffff, v2  }
0xcc: {  	v2 =	vld [tilespmem:s14+$0x390];
	_ =	sdelay $0x4  }
0xcd: {  	[tilespmem:s31+$0x4090] =	vst.add.f32.msk $0xffff, v2  }
0xce: {  	v2 =	vld [tilespmem:s14+$0x3A0];
	_ =	sdelay $0x4  }
0xcf: {  	[tilespmem:s31+$0x40A0] =	vst.add.f32.msk $0xffff, v2  }
0xd0: {  	p0 =	sne.s32 s13, $0x1C0;
	v2 =	vld [tilespmem:s14+$0x3B0]  }
.Ltmp1:
0xd1: {  	_ = 	snop;
	(pc) =	sbr.rel @p0 .LBB2_4-.Ltmp1, $3  }
0xd2: {  	_ =	sdelay $0x1  }
0xd3: {  	[tilespmem:s31+$0x40C0] =	vst.add.f32.msk $0xffff, v1  }
0xd4: {  	s13 =	sadd.s32 $0x40, s13;
	s14 =	sadd.s32 $0x800, s14;
	[tilespmem:s31+$0x40B0] =	vst.add.f32.msk $0xffff, v2  }
0xd5: {  	s12 =	sadd.s32 $0x1, s12  }
0xd6: {  	p0 =	sne.s32 s12, s6  }
.Ltmp2:
0xd7: {  	_ = 	snop;
	(pc) =	sbr.rel @p0 .LBB2_1-.Ltmp2, $4  }
0xd8: {  	[hbm4b:s5+s2] =	stream.linear.scatter [tilespmem:s10], [sflag:$0x3], $0x10000, $0x38;
	[tilespmem:$0x14080] =	vst v63  }
0xd9: {  	_ =	swait.ge [sflag:s11], $0x10000  }
0xda: {  	[sflag:s11] =	ssyncset.done $0x0  }
0xdb: {  	[sflag:s11] =	ssyncadd.s32 $0xFFFF0000  }
0xdc: {  	_ =	sfence.sel $0x180000  }
0xdd: {  	[bflag:$0x0] =	sbarrier.arrive $0xFFFF  }
0xde: {  	p0 =	sne.s32 s1, $0x0;
	_ =	strace $0x90000047  }
0xdf: {  	s0 =	sadd.s32 @!p0 $0x100000, s0;
	[bflag:$0x2] =	sbarrier.arrive $0xFFFF  }
0xe0: {  	[sflag:s0] =	ssyncadd.tile.s32 @!p0 $0x1;
	_ =	shalt  }
.Lfunc_end2:
_tile_overlayer_lowered:
.L_overlay_start_2:
0xe1: {  	(tag) =	ssettag $0x2  }
0xe2: {  	s0 =	rddreg [dreg:$0x0];
	s2 =	stileid.u32  }
0xe3: {  	s1 =	rddreg [dreg:$0x1];
	p0 =	sne.s32 s2, $0x0  }
0xe4: {  	s3 =	rddreg [dreg:$0x2];
	[bflag:$0x3] =	sbarrier.arrive $0xFFFF;
	s2 =	simm.s32 @!p0 $0x1C03  }
0xe5: {  	[timem:s3], [sflag:s2] =	dma.local @!p0 [hbm:s0], s1  }
0xe6: {  	s0 =	simm.s32 @!p0 $0x3  }
0xe7: {  	_ =	swait.ge @!p0 [sflag:s0], s1  }
0xe8: {  	s1 =	ssub.s32 @!p0 $0x0, s1;
	[sflag:s0] =	ssyncset.done @!p0 $0x0  }
0xe9: {  	[sflag:s0] =	ssyncadd.s32 @!p0 s1  }
0xea: {  	[bflag:$0x3] =	sbarrier.arrive $0xFFFF  }
0xeb: {  	_ =	shalt  }

</sc_bundles>
